<compile_context>
chip_gen: v7x
topology: tpu7x:2x2x1
jax: 0.10.2.dev20260603
libtpu: 0.0.44.dev20260713+nightly
codegen_flags: <defaults>
</compile_context>

<pallas_src>
import functools

import jax
import jax.numpy as jnp
from jax.experimental import pallas as pl
from jax.experimental.pallas import tpu as pltpu
from jax.experimental.pallas import tpu_sc as plsc

def _dot(a, b):
    return jnp.dot(a, b, preferred_element_type=jnp.float32)


_bdot = _dot


def _dot_t(a, b):
    return jax.lax.dot_general(a, b, (((1,), (1,)), ((), ())),
                               preferred_element_type=jnp.float32)


_BPC = 8
_NPB = 2048


def _dot0(a, b):
    return jax.lax.dot_general(a, b, (((0,), (0,)), ((), ())),
                               preferred_element_type=jnp.float32)


def _obj_pn_kernel(x_ref, wt1, bt1, wt2, bt2, wt3, bt3,
                   wp1, bp1, wp2, bp2, wp3, bp3, ot_ref, op_ref):
    def chain(xb, w1, b1, w2, b2, w3, b3):
        h = jnp.maximum(_dot0(xb, w1[...]) + b1[...], 0.0)
        h = jnp.maximum(_bdot(h, w2[...]) + b2[...], 0.0)
        h = _bdot(h, w3[...]) + b3[...]
        return jnp.max(h, axis=0, keepdims=True)

    pts, pps = [], []
    for i in range(_BPC):
        xb = x_ref[i]
        pts.append(chain(xb, wt1, bt1, wt2, bt2, wt3, bt3))
        pps.append(chain(xb, wp1, bp1, wp2, bp2, wp3, bp3))
    ot_ref[...] = jnp.stack(pts)
    op_ref[...] = jnp.stack(pps)


def _obj_pointnets(obj_pc, pt_t, pt_p):
    B, C, N = obj_pc.shape
    steps = B // _BPC
    full = lambda s: pl.BlockSpec(s, lambda c: (0,) * len(s))
    wspecs = []
    args = []
    for p in (pt_t, pt_p):
        for k in ('w1', 'b1', 'w2', 'b2', 'w3', 'b3'):
            a = p[k]
            if a.ndim == 1:
                a = a.reshape(1, -1)
            args.append(a)
            wspecs.append(full(a.shape))
    ot, op = pl.pallas_call(
        _obj_pn_kernel,
        grid=(steps,),
        in_specs=[pl.BlockSpec((_BPC, C, N), lambda c: (c, 0, 0))] + wspecs,
        out_specs=[pl.BlockSpec((_BPC, 1, 1024), lambda c: (c, 0, 0)),
                   pl.BlockSpec((_BPC, 1, 1024), lambda c: (c, 0, 0))],
        out_shape=[jax.ShapeDtypeStruct((B, 1, 1024), jnp.float32),
                   jax.ShapeDtypeStruct((B, 1, 1024), jnp.float32)],
    )(obj_pc, *args)
    return ot.reshape(B, 1024), op.reshape(B, 1024)


_FJ = [0, 1, 2, 3, 4, 5, 5]
_STARTS = [0, 83, 206, 326, 448, 569, 697]
_VALID = [83, 123, 120, 122, 121, 128, 81]


def _hand_pn_kernel(chunk_ref, nat_ref, w1, b1, w2, b2, w3, b3, out_ref):
    j = pl.program_id(0)
    v = jnp.int32(_VALID[-1])
    for jj in range(6):
        v = jnp.where(j == jj, jnp.int32(_VALID[jj]), v)
    nat = nat_ref[...]
    mean = jnp.sum(nat, axis=2) * (1.0 / 778.0)
    B = nat.shape[0]
    x = chunk_ref[0].reshape(B, 128, 3) - mean[:, None, :]
    x = x.reshape(B * 128, 3)
    h = jnp.maximum(_bdot(x, w1[0]) + b1[0], 0.0)
    h = jnp.maximum(_bdot(h, w2[0]) + b2[0], 0.0)
    h = _bdot(h, w3[0]) + b3[0]
    h = h.reshape(B, 128, 1024)
    pid = jax.lax.broadcasted_iota(jnp.int32, (B, 128, 1), 1)
    h = jnp.where(pid < v, h, -1e30)
    pm = jnp.max(h, axis=1)

    @pl.when(j < 6)
    def _():
        out_ref[0] = pm

    @pl.when(j == 6)
    def _():
        out_ref[0] = jnp.maximum(out_ref[0], pm)


def _hand_pointnets(hand_xyz, enc):
    B = hand_xyz.shape[0]
    hp = jnp.transpose(hand_xyz, (0, 2, 1))
    hp = jnp.pad(hp, ((0, 0), (0, 832 - 778), (0, 0)))
    chunks = jnp.stack([hp[:, s:s + 128, :] for s in _STARTS])
    chunks = chunks.reshape(7, B * 128, 3)
    nat = jnp.pad(hand_xyz, ((0, 0), (0, 0), (0, 832 - 778)))

    stk = lambda k: jnp.stack([enc[i][k] for i in range(6)])
    W1, W2, W3 = stk('w1'), stk('w2'), stk('w3')
    B1 = stk('b1')[:, None, :]
    B2 = stk('b2')[:, None, :]
    B3 = stk('b3')[:, None, :]

    wmap = lambda j: (jnp.minimum(j, 5), 0, 0)
    return pl.pallas_call(
        _hand_pn_kernel,
        grid=(7,),
        in_specs=[
            pl.BlockSpec((1, B * 128, 3), lambda j: (j, 0, 0)),
            pl.BlockSpec(nat.shape, lambda j: (0, 0, 0)),
            pl.BlockSpec((1,) + W1.shape[1:], wmap),
            pl.BlockSpec((1,) + B1.shape[1:], wmap),
            pl.BlockSpec((1,) + W2.shape[1:], wmap),
            pl.BlockSpec((1,) + B2.shape[1:], wmap),
            pl.BlockSpec((1,) + W3.shape[1:], wmap),
            pl.BlockSpec((1,) + B3.shape[1:], wmap),
        ],
        out_specs=pl.BlockSpec((1, B, 1024), wmap),
        out_shape=jax.ShapeDtypeStruct((6, B, 1024), jnp.float32),
    )(chunks, nat, W1, B1, W2, B2, W3, B3)


def _emb_vq_kernel(feat_ref, w0, b0, wm, bm, cb_ref, z_ref, d_ref):
    f = feat_ref[0]
    h = jnp.maximum(_bdot(f, w0[0]) + b0[0], 0.0)
    z = _bdot(h, wm[0]) + bm[0]
    cb = cb_ref[0]
    d = (jnp.sum(z * z, axis=1, keepdims=True)
         - 2.0 * _dot_t(z, cb)
         + jnp.sum(cb * cb, axis=1)[None, :])
    B = d.shape[0]
    lane = jax.lax.broadcasted_iota(jnp.int32, (B, 128), 1)
    dmin = jnp.min(d, axis=1, keepdims=True)
    idx = jnp.min(jnp.where(d == dmin, lane, 128), axis=1)
    z_ref[0] = z
    d_ref[0] = (idx + 128 * pl.program_id(0)).reshape(1, B)


def _emb_vq(feat, emb, cbs):
    B = feat.shape[1]
    stk = lambda k: jnp.stack([emb[i][k] for i in range(6)])
    W0, WM = stk('w0'), stk('wm')
    B0 = stk('b0')[:, None, :]
    BM = stk('bm')[:, None, :]
    CB = jnp.stack(cbs)
    bmap = lambda i: (i, 0, 0)
    return pl.pallas_call(
        _emb_vq_kernel,
        grid=(6,),
        in_specs=[
            pl.BlockSpec((1, B, 1024), bmap),
            pl.BlockSpec((1,) + W0.shape[1:], bmap),
            pl.BlockSpec((1,) + B0.shape[1:], bmap),
            pl.BlockSpec((1,) + WM.shape[1:], bmap),
            pl.BlockSpec((1,) + BM.shape[1:], bmap),
            pl.BlockSpec((1,) + CB.shape[1:], bmap),
        ],
        out_specs=[pl.BlockSpec((1, B, 256), bmap),
                   pl.BlockSpec((1, 1, B), bmap)],
        out_shape=[jax.ShapeDtypeStruct((6, B, 256), jnp.float32),
                   jax.ShapeDtypeStruct((6, 1, B), jnp.int32)],
    )(feat, W0, B0, WM, BM, CB)


def _sc_vq(idxFp, cbF):
    mesh = plsc.VectorSubcoreMesh(core_axis_name="c", subcore_axis_name="s")

    @functools.partial(
        pl.kernel, mesh=mesh,
        out_type=jax.ShapeDtypeStruct((256, 256), jnp.float32),
        scratch_types=[pltpu.VMEM((8,), jnp.int32),
                       pltpu.VMEM((8, 256), jnp.float32),
                       pltpu.SemaphoreType.DMA],
    )
    def k(idxF_hbm, cbF_hbm, qFp_hbm, idxv, rows, sem):
        wid = jax.lax.axis_index("s") * 2 + jax.lax.axis_index("c")
        pltpu.sync_copy(idxF_hbm.at[pl.ds(wid * 8, 8)], idxv)
        pltpu.async_copy(cbF_hbm.at[idxv], rows, sem).wait()
        pltpu.sync_copy(rows, qFp_hbm.at[pl.ds(wid * 8, 8)])

    return k(idxFp, cbF)


def _final_kernel(q_ref, z_ref, cb6_ref, ot_ref, op_ref,
                  d0, db0, d1, db1, d2p, db2p,
                  p0, pb0, p1, pb1, p2p, pb2p, out_ref, loss_ref):
    opos = op_ref[...]
    B = opos.shape[0]
    cb6 = cb6_ref[...]
    d6 = (jnp.sum(opos * opos, axis=1, keepdims=True)
          - 2.0 * _dot_t(opos, cb6)
          + jnp.sum(cb6 * cb6, axis=1)[None, :])
    lane = jax.lax.broadcasted_iota(jnp.int32, (B, 128), 1)
    dmin = jnp.min(d6, axis=1, keepdims=True)
    idx6 = jnp.min(jnp.where(d6 == dmin, lane, 128), axis=1, keepdims=True)
    onehot = (lane == idx6).astype(jnp.float32)
    q6 = _dot(onehot, cb6)
    qflat = q_ref[...].reshape(B, 8, 256)[:, :6, :].reshape(6 * B, 256)
    zz = z_ref[...]
    ssq = 0.0
    qs = []
    for i in range(6):
        qi = qflat[32 * i:32 * (i + 1), :]
        qs.append(qi)
        ssq = ssq + jnp.sum((qi - zz[i]) ** 2)
    ssq6 = jnp.sum((q6 - opos) ** 2)
    loss = (1.25 * ssq / (B * 256.0)
            + 3.0 * ssq6 / (B * 1024.0))

    otype = ot_ref[...]
    x1 = _bdot(otype, d0[1536:, :]) + db0[...]
    for i in range(6):
        x1 = x1 + _bdot(qs[i], d0[256 * i:256 * (i + 1), :])
    h = jnp.maximum(x1, 0.0)
    h = jnp.maximum(_bdot(h, d1[...]) + db1[...], 0.0)
    recon = _bdot(h, d2p[...]) + db2p[...]
    y1 = _bdot(q6, p0[:1024, :]) + _bdot(otype, p0[1024:, :]) + pb0[...]
    g = jnp.maximum(y1, 0.0)
    g = jnp.maximum(_bdot(g, p1[...]) + pb1[...], 0.0)
    pos = _bdot(g, p2p[...]) + pb2p[...]
    out_ref[...] = recon + pos
    loss_ref[...] = loss.reshape(1, 1)


def _final(q, z, cb6, otype, opos, dec, pos_dec):
    B = otype.shape[0]
    d2p = jnp.pad(dec['w2'], ((0, 0), (0, 6)))
    db2p = jnp.pad(dec['b2'], (0, 6)).reshape(1, 61)
    p2p = jnp.pad(pos_dec['w2'], ((0, 0), (55, 0)))
    pb2p = jnp.pad(pos_dec['b2'], (55, 0)).reshape(1, 61)
    args = [q, z, cb6, otype, opos,
            dec['w0'], dec['b0'].reshape(1, -1),
            dec['w1'], dec['b1'].reshape(1, -1), d2p, db2p,
            pos_dec['w0'], pos_dec['b0'].reshape(1, -1),
            pos_dec['w1'], pos_dec['b1'].reshape(1, -1), p2p, pb2p]
    out, loss = pl.pallas_call(
        _final_kernel,
        in_specs=[pl.BlockSpec(a.shape, functools.partial(lambda n: (0,) * n, a.ndim))
                  for a in args],
        out_specs=[pl.BlockSpec((B, 61), lambda: (0, 0)),
                   pl.BlockSpec((1, 1), lambda: (0, 0))],
        out_shape=[jax.ShapeDtypeStruct((B, 61), jnp.float32),
                   jax.ShapeDtypeStruct((1, 1), jnp.float32)],
    )(*args)
    return out, loss


def kernel(obj_pc, hand_xyz, params):
    feat = _hand_pointnets(hand_xyz, params['hand_enc'])
    z, idxF = _emb_vq(feat, params['emb'], params['cb'])
    cbF = jnp.concatenate(params['cb'], axis=0)
    idxFp = jnp.pad(idxF.reshape(192).reshape(32, 6), ((0, 0), (0, 2)))
    qFp = _sc_vq(idxFp.reshape(256), cbF)
    otype, opos = _obj_pointnets(obj_pc, params['obj_type'],
                                 params['obj_pos'])
    out, loss = _final(qFp, z, params['cb6'], otype, opos,
                       params['dec'], params['pos_dec'])
    return out, loss[0, 0]

# --- scband reference (transcript-rebuilt; emitter-appended) ---
"""Pipeline reference for scband-dvqvae-30056181137410 (READ-ONLY COPY).

The authoritative reference and input builder live on the scoring server;
editing this copy changes nothing except your own understanding.
"""

import jax, jax.numpy as jnp
import numpy as np


def _finger_indices():
    # MANO vertex partition; source file leaves f0hand undefined, so we use a
    # deterministic partition of the 778 vertices with the same group sizes.
    sizes = [83, 123, 120, 122, 121, 209]
    idx = np.arange(778)
    out = []
    s = 0
    for n in sizes:
        out.append(jnp.asarray(idx[s:s + n]))
        s += n
    return out


def _pointnet_params(key, c):
    ks = jax.random.split(key, 3)
    return {'w1': jax.random.normal(ks[0], (c, 64)) * 0.02, 'b1': jnp.zeros(64),
            'w2': jax.random.normal(ks[1], (64, 128)) * 0.02, 'b2': jnp.zeros(128),
            'w3': jax.random.normal(ks[2], (128, 1024)) * 0.02, 'b3': jnp.zeros(1024)}


def _mlp_params(key):
    k0, k1 = jax.random.split(key)
    return {'w0': jax.random.normal(k0, (1024, 512)) * 0.02, 'b0': jnp.zeros(512),
            'wm': jax.random.normal(k1, (512, 256)) * 0.02, 'bm': jnp.zeros(256)}


def _dec_params(key, sizes):
    ps = {}
    ks = jax.random.split(key, len(sizes) - 1)
    for i, (a, b) in enumerate(zip(sizes[:-1], sizes[1:])):
        ps['w%d' % i] = jax.random.normal(ks[i], (a, b)) * 0.02
        ps['b%d' % i] = jnp.zeros(b)
    return ps


def setup_inputs(seed: int = 0):
    key = jax.random.key(seed)
    ks = jax.random.split(key, 32)
    B, N1 = 32, 2048
    obj_pc = jax.random.normal(ks[0], (B, 4, N1), dtype=jnp.float32)
    hand_xyz = jax.random.normal(ks[1], (B, 3, 778), dtype=jnp.float32)
    params = {
        'hand_enc': [_pointnet_params(ks[2 + i], 3) for i in range(6)],
        'obj_type': _pointnet_params(ks[8], 4),
        'obj_pos': _pointnet_params(ks[9], 4),
        'emb': [_mlp_params(ks[10 + i]) for i in range(6)],
        'cb': [jax.random.normal(ks[16 + i], (128, 256)) * 0.02 for i in range(6)],
        'cb6': jax.random.normal(ks[22], (128, 1024)) * 0.02,
        'dec': _dec_params(ks[23], [2560, 1024, 256, 55]),
        'pos_dec': _dec_params(ks[24], [2048, 1024, 128, 6]),
    }
    return {'obj_pc': obj_pc, 'hand_xyz': hand_xyz, 'params': params}


def _pointnet(x, p):
    h = jnp.transpose(x, (0, 2, 1))
    h = jax.nn.relu(h @ p['w1'] + p['b1'])
    h = jax.nn.relu(h @ p['w2'] + p['b2'])
    h = h @ p['w3'] + p['b3']
    return jnp.max(h, axis=1)


def _vq(z, cb, beta):
    d = jnp.sum(z * z, axis=1, keepdims=True) - 2.0 * (z @ cb.T) + jnp.sum(cb * cb, axis=1)[None, :]
    idx = jnp.argmin(d, axis=1)
    q = jnp.take(cb, idx, axis=0)
    loss = jnp.mean((jax.lax.stop_gradient(q) - z) ** 2) + beta * jnp.mean((q - jax.lax.stop_gradient(z)) ** 2)
    q_st = z + jax.lax.stop_gradient(q - z)
    onehot = jax.nn.one_hot(idx, cb.shape[0])
    probs = jnp.mean(onehot, axis=0)
    perp = jnp.exp(-jnp.sum(probs * jnp.log(probs + 1e-10)))
    return loss, q_st, perp


def _decoder(x, p, n):
    for i in range(n):
        x = x @ p['w%d' % i] + p['b%d' % i]
        if i + 1 < n:
            x = jax.nn.relu(x)
    return x


def reference(obj_pc, hand_xyz, params):
    mean_xyz = jnp.mean(hand_xyz, axis=2, keepdims=True)
    hand = hand_xyz - mean_xyz
    fidx = _finger_indices()
    obj_type = _pointnet(obj_pc, params['obj_type'])
    obj_pos = _pointnet(obj_pc, params['obj_pos'])
    embs = []
    total_loss = 0.0
    for i in range(6):
        feat = _pointnet(hand[:, :, fidx[i]], params['hand_enc'][i])
        pe = params['emb'][i]
        z = jax.nn.relu(feat @ pe['w0'] + pe['b0']) @ pe['wm'] + pe['bm']
        loss, q, perp = _vq(z, params['cb'][i], 0.25)
        total_loss = total_loss + loss
        embs.append(q)
    loss6, q6, perp6 = _vq(obj_pos, params['cb6'], 2.0)
    total_loss = total_loss + loss6
    hand_emb = jnp.concatenate(embs, axis=1)
    recon = _decoder(jnp.concatenate([hand_emb, obj_type], axis=1), params['dec'], 3)
    pos = _decoder(jnp.concatenate([q6, obj_type], axis=1), params['pos_dec'], 3)
    out = jnp.concatenate([recon, pos], axis=1)
    return out, total_loss

if __name__ == "__main__":
    import jax
    _d = setup_inputs()
    print(jax.jit(kernel)(*tuple(_d.values())))

</pallas_src>

<mosaic_0001>
#map = affine_map<(d0, d1) -> (0)>
#map1 = affine_map<(d0, d1) -> (0, 0)>
module attributes {stable_mosaic.version = 14 : i64} {
  func.func @k(%arg0: i32, %arg1: i32, %arg2: memref<256xi32, #tpu.memory_space<hbm>>, %arg3: memref<768x256xf32, #tpu.memory_space<hbm>>, %arg4: memref<256x256xf32, #tpu.memory_space<hbm>>, %arg5: memref<8xi32, #tpu.memory_space<vmem>>, %arg6: memref<8x256xf32, #tpu.memory_space<vmem>>, %arg7: memref<!tpu.dma_semaphore, #tpu.memory_space<semaphore_mem>>) attributes {dimension_semantics = [#tpu.dimension_semantics<core_parallel>, #tpu.dimension_semantics<subcore_parallel>], iteration_bounds = array<i64: 2, 16>, scalar_prefetch = 0 : i64, scratch_operands = 3 : i64, tpu.core_type = #tpu.core_type<sc_vector_subcore>, window_params = [{transform_indices = #map}, {transform_indices = #map1}, {transform_indices = #map1}]} {
    %mul3A = arith.constant 2 : i32
    %mul3A_0 = arith.muli %arg1, %mul3A : i32
    %add3A = arith.addi %mul3A_0, %arg0 : i32
    %mul3A_1 = arith.constant 8 : i32
    %mul3A_2 = arith.muli %add3A, %mul3A_1 : i32
    "tpu.region"() ({
      %run_scoped3A = tpu.sem_alloc : memref<!tpu.dma_semaphore, #tpu.memory_space<semaphore_mem>>
      %dma_start3A_9 = tpu.memref_slice %arg2[%mul3A_2] : memref<256xi32, #tpu.memory_space<hbm>> -> memref<8xi32, #tpu.memory_space<hbm>>
      %dma_start3A_10 = tpu.memref_slice %arg2[%mul3A_2] : memref<256xi32, #tpu.memory_space<hbm>> -> memref<8xi32, #tpu.memory_space<hbm>>
      tpu.enqueue_dma source(%dma_start3A_10 : memref<8xi32, #tpu.memory_space<hbm>>) target(%arg5 : memref<8xi32, #tpu.memory_space<vmem>>) target_semaphore(%run_scoped3A : memref<!tpu.dma_semaphore, #tpu.memory_space<semaphore_mem>>)
      %dma_wait3A_11 = tpu.memref_slice %arg2[%mul3A_2] : memref<256xi32, #tpu.memory_space<hbm>> -> memref<8xi32, #tpu.memory_space<hbm>>
      %dma_wait3A_12 = tpu.memref_slice %arg2[%mul3A_2] : memref<256xi32, #tpu.memory_space<hbm>> -> memref<8xi32, #tpu.memory_space<hbm>>
      tpu.wait_dma2 semaphore(%run_scoped3A : memref<!tpu.dma_semaphore, #tpu.memory_space<semaphore_mem>>) src(%dma_wait3A_12 : memref<8xi32, #tpu.memory_space<hbm>>) dst(%arg5 : memref<8xi32, #tpu.memory_space<vmem>>)
      tpu.yield
    }) : () -> ()
    %dma_start3A = arith.constant 0 : i32
    %dma_start3A_3 = arith.constant 0 : i32
    %dma_start3A_4 = tpu.memref_slice %arg3[%dma_start3A, %dma_start3A_3] : memref<768x256xf32, #tpu.memory_space<hbm>> -> memref<768x256xf32, #tpu.memory_space<hbm>>
    tpu.enqueue_indirect_dma source(%dma_start3A_4 : memref<768x256xf32, #tpu.memory_space<hbm>>) target(%arg6 : memref<8x256xf32, #tpu.memory_space<vmem>>) offsets(%arg5 : memref<8xi32, #tpu.memory_space<vmem>>) semaphore(%arg7 : memref<!tpu.dma_semaphore, #tpu.memory_space<semaphore_mem>>)
    %dma_wait3A = arith.constant 0 : i32
    %dma_wait3A_5 = arith.constant 0 : i32
    %dma_wait3A_6 = tpu.memref_slice %arg3[%dma_wait3A, %dma_wait3A_5] : memref<768x256xf32, #tpu.memory_space<hbm>> -> memref<768x256xf32, #tpu.memory_space<hbm>>
    tpu.wait_indirect_dma semaphore(%arg7 : memref<!tpu.dma_semaphore, #tpu.memory_space<semaphore_mem>>) src(%dma_wait3A_6 : memref<768x256xf32, #tpu.memory_space<hbm>>) dst(%arg6 : memref<8x256xf32, #tpu.memory_space<vmem>>)
    %mul3A_7 = arith.constant 8 : i32
    %mul3A_8 = arith.muli %add3A, %mul3A_7 : i32
    "tpu.region"() ({
      %run_scoped3A = tpu.sem_alloc : memref<!tpu.dma_semaphore, #tpu.memory_space<semaphore_mem>>
      %dma_start3A_9 = arith.constant 0 : i32
      %dma_start3A_10 = tpu.memref_slice %arg4[%mul3A_8, %dma_start3A_9] : memref<256x256xf32, #tpu.memory_space<hbm>> -> memref<8x256xf32, #tpu.memory_space<hbm>>
      %dma_start3A_11 = arith.constant 0 : i32
      %dma_start3A_12 = tpu.memref_slice %arg4[%mul3A_8, %dma_start3A_11] : memref<256x256xf32, #tpu.memory_space<hbm>> -> memref<8x256xf32, #tpu.memory_space<hbm>>
      tpu.enqueue_dma source(%arg6 : memref<8x256xf32, #tpu.memory_space<vmem>>) target(%dma_start3A_12 : memref<8x256xf32, #tpu.memory_space<hbm>>) target_semaphore(%run_scoped3A : memref<!tpu.dma_semaphore, #tpu.memory_space<semaphore_mem>>)
      %dma_wait3A_13 = arith.constant 0 : i32
      %dma_wait3A_14 = tpu.memref_slice %arg4[%mul3A_8, %dma_wait3A_13] : memref<256x256xf32, #tpu.memory_space<hbm>> -> memref<8x256xf32, #tpu.memory_space<hbm>>
      %dma_wait3A_15 = arith.constant 0 : i32
      %dma_wait3A_16 = tpu.memref_slice %arg4[%mul3A_8, %dma_wait3A_15] : memref<256x256xf32, #tpu.memory_space<hbm>> -> memref<8x256xf32, #tpu.memory_space<hbm>>
      tpu.wait_dma2 semaphore(%run_scoped3A : memref<!tpu.dma_semaphore, #tpu.memory_space<semaphore_mem>>) src(%arg6 : memref<8x256xf32, #tpu.memory_space<vmem>>) dst(%dma_wait3A_16 : memref<8x256xf32, #tpu.memory_space<hbm>>)
      tpu.yield
    }) : () -> ()
    return
  }
}

module attributes {stable_mosaic.version = 14 : i64} {
  func.func @_emb_vq_kernel(%arg0: i32, %arg1: memref<1x32x1024xf32, #tpu.memory_space<vmem>>, %arg2: memref<1x1024x512xf32, #tpu.memory_space<vmem>>, %arg3: memref<1x1x512xf32, #tpu.memory_space<vmem>>, %arg4: memref<1x512x256xf32, #tpu.memory_space<vmem>>, %arg5: memref<1x1x256xf32, #tpu.memory_space<vmem>>, %arg6: memref<1x128x256xf32, #tpu.memory_space<vmem>>, %arg7: memref<1x32x256xf32, #tpu.memory_space<vmem>>, %arg8: memref<1x1x32xi32, #tpu.memory_space<vmem>>) attributes {dimension_semantics = [#tpu.dimension_semantics<arbitrary>], iteration_bounds = array<i64: 6>, scalar_prefetch = 0 : i64, scratch_operands = 0 : i64, tpu.core_type = #tpu.core_type<tc>, window_params = [{transform_indices = @transform_0, window_bounds = array<i64: 1, 32, 1024>}, {transform_indices = @transform_1, window_bounds = array<i64: 1, 1024, 512>}, {transform_indices = @transform_2, window_bounds = array<i64: 1, 1, 512>}, {transform_indices = @transform_3, window_bounds = array<i64: 1, 512, 256>}, {transform_indices = @transform_4, window_bounds = array<i64: 1, 1, 256>}, {transform_indices = @transform_5, window_bounds = array<i64: 1, 128, 256>}, {transform_indices = @transform_6, window_bounds = array<i64: 1, 32, 256>}, {transform_indices = @transform_7, window_bounds = array<i64: 1, 1, 32>}]} {
    %get3A = arith.constant 0 : index
    %get3A_0 = arith.constant 0 : index
    %get3A_1 = arith.constant 0 : index
    %get3A_2 = vector.load %arg1[%get3A, %get3A_0, %get3A_1] : memref<1x32x1024xf32, #tpu.memory_space<vmem>>, vector<1x32x1024xf32>
    %get3A_3 = vector.shape_cast %get3A_2 : vector<1x32x1024xf32> to vector<32x1024xf32>
    %get3A_4 = arith.constant 0 : index
    %get3A_5 = arith.constant 0 : index
    %get3A_6 = arith.constant 0 : index
    %get3A_7 = vector.load %arg2[%get3A_4, %get3A_5, %get3A_6] : memref<1x1024x512xf32, #tpu.memory_space<vmem>>, vector<1x1024x512xf32>
    %get3A_8 = vector.shape_cast %get3A_7 : vector<1x1024x512xf32> to vector<1024x512xf32>
    %dot_general3A = arith.constant dense<0.000000e+00> : vector<32x512xf32>
    %dot_general3A_9 = tpu.matmul %get3A_3, %get3A_8, %dot_general3A {dimension_numbers = #tpu.dot_dimension_numbers<[1], [0], [0], [1], [0, 0, 1, 1], [], []>, transpose_lhs_hint = false} : vector<32x1024xf32>, vector<1024x512xf32>, vector<32x512xf32> -> vector<32x512xf32>
    %get3A_10 = arith.constant 0 : index
    %get3A_11 = arith.constant 0 : index
    %get3A_12 = arith.constant 0 : index
    %get3A_13 = vector.load %arg3[%get3A_10, %get3A_11, %get3A_12] : memref<1x1x512xf32, #tpu.memory_space<vmem>>, vector<1x1x512xf32>
    %get3A_14 = vector.shape_cast %get3A_13 : vector<1x1x512xf32> to vector<1x512xf32>
    %add3A = vector.broadcast %get3A_14 : vector<1x512xf32> to vector<32x512xf32>
    %add3A_15 = arith.addf %dot_general3A_9, %add3A : vector<32x512xf32>
    %max3A = arith.constant 0.000000e+00 : f32
    %max3A_16 = vector.broadcast %max3A : f32 to vector<32x512xf32>
    %max3A_17 = arith.maximumf %add3A_15, %max3A_16 : vector<32x512xf32>
    %get3A_18 = arith.constant 0 : index
    %get3A_19 = arith.constant 0 : index
    %get3A_20 = arith.constant 0 : index
    %get3A_21 = vector.load %arg4[%get3A_18, %get3A_19, %get3A_20] : memref<1x512x256xf32, #tpu.memory_space<vmem>>, vector<1x512x256xf32>
    %get3A_22 = vector.shape_cast %get3A_21 : vector<1x512x256xf32> to vector<512x256xf32>
    %dot_general3A_23 = arith.constant dense<0.000000e+00> : vector<32x256xf32>
    %dot_general3A_24 = tpu.matmul %max3A_17, %get3A_22, %dot_general3A_23 {dimension_numbers = #tpu.dot_dimension_numbers<[1], [0], [0], [1], [0, 0, 1, 1], [], []>, transpose_lhs_hint = false} : vector<32x512xf32>, vector<512x256xf32>, vector<32x256xf32> -> vector<32x256xf32>
    %get3A_25 = arith.constant 0 : index
    %get3A_26 = arith.constant 0 : index
    %get3A_27 = arith.constant 0 : index
    %get3A_28 = vector.load %arg5[%get3A_25, %get3A_26, %get3A_27] : memref<1x1x256xf32, #tpu.memory_space<vmem>>, vector<1x1x256xf32>
    %get3A_29 = vector.shape_cast %get3A_28 : vector<1x1x256xf32> to vector<1x256xf32>
    %add3A_30 = vector.broadcast %get3A_29 : vector<1x256xf32> to vector<32x256xf32>
    %add3A_31 = arith.addf %dot_general3A_24, %add3A_30 : vector<32x256xf32>
    %get3A_32 = arith.constant 0 : index
    %get3A_33 = arith.constant 0 : index
    %get3A_34 = arith.constant 0 : index
    %get3A_35 = vector.load %arg6[%get3A_32, %get3A_33, %get3A_34] : memref<1x128x256xf32, #tpu.memory_space<vmem>>, vector<1x128x256xf32>
    %get3A_36 = vector.shape_cast %get3A_35 : vector<1x128x256xf32> to vector<128x256xf32>
    %mul3A = arith.mulf %add3A_31, %add3A_31 : vector<32x256xf32>
    %reduce_sum3A = arith.constant dense<0.000000e+00> : vector<32xf32>
    %reduce_sum3A_37 = vector.multi_reduction <add>, %mul3A, %reduce_sum3A [1] : vector<32x256xf32> to vector<32xf32>
    %broadcast_in_dim3A = vector.shape_cast %reduce_sum3A_37 : vector<32xf32> to vector<32x1xf32>
    %dot_general3A_38 = arith.constant dense<0.000000e+00> : vector<32x128xf32>
    %dot_general3A_39 = tpu.matmul %add3A_31, %get3A_36, %dot_general3A_38 {dimension_numbers = #tpu.dot_dimension_numbers<[1], [1], [0], [0], [0, 0, 1, 0], [], []>, transpose_lhs_hint = false} : vector<32x256xf32>, vector<128x256xf32>, vector<32x128xf32> -> vector<32x128xf32>
    %mul3A_40 = arith.constant 2.000000e+00 : f32
    %mul3A_41 = vector.broadcast %mul3A_40 : f32 to vector<32x128xf32>
    %mul3A_42 = arith.mulf %mul3A_41, %dot_general3A_39 : vector<32x128xf32>
    %sub3A = vector.broadcast %broadcast_in_dim3A : vector<32x1xf32> to vector<32x128xf32>
    %sub3A_43 = arith.subf %sub3A, %mul3A_42 : vector<32x128xf32>
    %mul3A_44 = arith.mulf %get3A_36, %get3A_36 : vector<128x256xf32>
    %reduce_sum3A_45 = arith.constant dense<0.000000e+00> : vector<128xf32>
    %reduce_sum3A_46 = vector.multi_reduction <add>, %mul3A_44, %reduce_sum3A_45 [1] : vector<128x256xf32> to vector<128xf32>
    %broadcast_in_dim3A_47 = vector.shape_cast %reduce_sum3A_46 : vector<128xf32> to vector<1x128xf32>
    %add3A_48 = vector.broadcast %broadcast_in_dim3A_47 : vector<1x128xf32> to vector<32x128xf32>
    %add3A_49 = arith.addf %sub3A_43, %add3A_48 : vector<32x128xf32>
    %iota3A = tpu.iota {dimensions = array<i32: 1>} : vector<32x128xi32>
    %reduce_min3A = arith.constant dense<0x7F800000> : vector<32xf32>
    %reduce_min3A_50 = vector.multi_reduction <minimumf>, %add3A_49, %reduce_min3A [1] : vector<32x128xf32> to vector<32xf32>
    %broadcast_in_dim3A_51 = vector.shape_cast %reduce_min3A_50 : vector<32xf32> to vector<32x1xf32>
    %eq3A = vector.broadcast %broadcast_in_dim3A_51 : vector<32x1xf32> to vector<32x128xf32>
    %eq3A_52 = arith.cmpf oeq, %add3A_49, %eq3A : vector<32x128xf32>
    %jit3A = arith.constant 128 : i32
    %broadcast_in_dim3A_53 = vector.broadcast %jit3A : i32 to vector<32x128xi32>
    %select_n3A = arith.select %eq3A_52, %iota3A, %broadcast_in_dim3A_53 : vector<32x128xi1>, vector<32x128xi32>
    %reduce_min3A_54 = arith.constant dense<2147483647> : vector<32xi32>
    %reduce_min3A_55 = vector.multi_reduction <minsi>, %select_n3A, %reduce_min3A_54 [1] : vector<32x128xi32> to vector<32xi32>
    %swap3A = arith.constant 0 : index
    %swap3A_56 = arith.constant 0 : index
    %swap3A_57 = arith.constant 0 : index
    %swap3A_58 = vector.load %arg7[%swap3A, %swap3A_56, %swap3A_57] : memref<1x32x256xf32, #tpu.memory_space<vmem>>, vector<1x32x256xf32>
    %swap3A_59 = vector.shape_cast %swap3A_58 : vector<1x32x256xf32> to vector<32x256xf32>
    %swap3A_60 = vector.shape_cast %add3A_31 : vector<32x256xf32> to vector<1x32x256xf32>
    tpu.vector_store %arg7[%swap3A, %swap3A_56, %swap3A_57], %swap3A_60 {strides = array<i32>} : memref<1x32x256xf32, #tpu.memory_space<vmem>>, vector<1x32x256xf32>,
    %mul3A_61 = arith.constant 128 : i32
    %mul3A_62 = arith.muli %mul3A_61, %arg0 : i32
    %add3A_63 = vector.broadcast %mul3A_62 : i32 to vector<32xi32>
    %add3A_64 = arith.addi %reduce_min3A_55, %add3A_63 : vector<32xi32>
    %reshape3A = vector.shape_cast %add3A_64 : vector<32xi32> to vector<1x32xi32>
    %swap3A_65 = arith.constant 0 : index
    %swap3A_66 = arith.constant 0 : index
    %swap3A_67 = arith.constant 0 : index
    %swap3A_68 = vector.load %arg8[%swap3A_65, %swap3A_66, %swap3A_67] : memref<1x1x32xi32, #tpu.memory_space<vmem>>, vector<1x1x32xi32>
    %swap3A_69 = vector.shape_cast %swap3A_68 : vector<1x1x32xi32> to vector<1x32xi32>
    %swap3A_70 = vector.shape_cast %reshape3A : vector<1x32xi32> to vector<1x1x32xi32>
    tpu.vector_store %arg8[%swap3A_65, %swap3A_66, %swap3A_67], %swap3A_70 {strides = array<i32>} : memref<1x1x32xi32, #tpu.memory_space<vmem>>, vector<1x1x32xi32>,
    return
  }
  func.func @transform_0(%arg0: i32) -> (i32, i32, i32) {
    %c0_i32 = arith.constant 0 : i32
    %c0_i32_0 = arith.constant 0 : i32
    %c0_i32_1 = arith.constant 0 : i32
    return %arg0, %c0_i32, %c0_i32_0 : i32, i32, i32
  }
  func.func @transform_1(%arg0: i32) -> (i32, i32, i32) {
    %c0_i32 = arith.constant 0 : i32
    %c0_i32_0 = arith.constant 0 : i32
    %c0_i32_1 = arith.constant 0 : i32
    return %arg0, %c0_i32, %c0_i32_0 : i32, i32, i32
  }
  func.func @transform_2(%arg0: i32) -> (i32, i32, i32) {
    %c0_i32 = arith.constant 0 : i32
    %c0_i32_0 = arith.constant 0 : i32
    %c0_i32_1 = arith.constant 0 : i32
    return %arg0, %c0_i32, %c0_i32_0 : i32, i32, i32
  }
  func.func @transform_3(%arg0: i32) -> (i32, i32, i32) {
    %c0_i32 = arith.constant 0 : i32
    %c0_i32_0 = arith.constant 0 : i32
    %c0_i32_1 = arith.constant 0 : i32
    return %arg0, %c0_i32, %c0_i32_0 : i32, i32, i32
  }
  func.func @transform_4(%arg0: i32) -> (i32, i32, i32) {
    %c0_i32 = arith.constant 0 : i32
    %c0_i32_0 = arith.constant 0 : i32
    %c0_i32_1 = arith.constant 0 : i32
    return %arg0, %c0_i32, %c0_i32_0 : i32, i32, i32
  }
  func.func @transform_5(%arg0: i32) -> (i32, i32, i32) {
    %c0_i32 = arith.constant 0 : i32
    %c0_i32_0 = arith.constant 0 : i32
    %c0_i32_1 = arith.constant 0 : i32
    return %arg0, %c0_i32, %c0_i32_0 : i32, i32, i32
  }
  func.func @transform_6(%arg0: i32) -> (i32, i32, i32) {
    %c0_i32 = arith.constant 0 : i32
    %c0_i32_0 = arith.constant 0 : i32
    %c0_i32_1 = arith.constant 0 : i32
    return %arg0, %c0_i32, %c0_i32_0 : i32, i32, i32
  }
  func.func @transform_7(%arg0: i32) -> (i32, i32, i32) {
    %c0_i32 = arith.constant 0 : i32
    %c0_i32_0 = arith.constant 0 : i32
    %c0_i32_1 = arith.constant 0 : i32
    return %arg0, %c0_i32, %c0_i32_0 : i32, i32, i32
  }
}

module attributes {stable_mosaic.version = 14 : i64} {
  func.func @_hand_pn_kernel(%arg0: i32, %arg1: memref<1x4096x3xf32, #tpu.memory_space<vmem>>, %arg2: memref<32x3x832xf32, #tpu.memory_space<vmem>>, %arg3: memref<1x3x64xf32, #tpu.memory_space<vmem>>, %arg4: memref<1x1x64xf32, #tpu.memory_space<vmem>>, %arg5: memref<1x64x128xf32, #tpu.memory_space<vmem>>, %arg6: memref<1x1x128xf32, #tpu.memory_space<vmem>>, %arg7: memref<1x128x1024xf32, #tpu.memory_space<vmem>>, %arg8: memref<1x1x1024xf32, #tpu.memory_space<vmem>>, %arg9: memref<1x32x1024xf32, #tpu.memory_space<vmem>>) attributes {dimension_semantics = [#tpu.dimension_semantics<arbitrary>], iteration_bounds = array<i64: 7>, scalar_prefetch = 0 : i64, scratch_operands = 0 : i64, tpu.core_type = #tpu.core_type<tc>, window_params = [{transform_indices = @transform_0, window_bounds = array<i64: 1, 4096, 3>}, {pipeline_mode = #tpu.pipeline_mode<synchronous>, transform_indices = @transform_1, window_bounds = array<i64: 32, 3, 832>}, {transform_indices = @transform_2, window_bounds = array<i64: 1, 3, 64>}, {transform_indices = @transform_3, window_bounds = array<i64: 1, 1, 64>}, {transform_indices = @transform_4, window_bounds = array<i64: 1, 64, 128>}, {transform_indices = @transform_5, window_bounds = array<i64: 1, 1, 128>}, {transform_indices = @transform_6, window_bounds = array<i64: 1, 128, 1024>}, {transform_indices = @transform_7, window_bounds = array<i64: 1, 1, 1024>}, {transform_indices = @transform_8, window_bounds = array<i64: 1, 32, 1024>}]} {
    %eq3A = arith.constant 0 : i32
    %eq3A_0 = arith.cmpi eq, %arg0, %eq3A : i32
    %jit3A = arith.constant 83 : i32
    %jit3A_1 = arith.constant 81 : i32
    %select_n3A = arith.select %eq3A_0, %jit3A, %jit3A_1 : i32
    %eq3A_2 = arith.constant 1 : i32
    %eq3A_3 = arith.cmpi eq, %arg0, %eq3A_2 : i32
    %jit3A_4 = arith.constant 123 : i32
    %select_n3A_5 = arith.select %eq3A_3, %jit3A_4, %select_n3A : i32
    %eq3A_6 = arith.constant 2 : i32
    %eq3A_7 = arith.cmpi eq, %arg0, %eq3A_6 : i32
    %jit3A_8 = arith.constant 120 : i32
    %select_n3A_9 = arith.select %eq3A_7, %jit3A_8, %select_n3A_5 : i32
    %eq3A_10 = arith.constant 3 : i32
    %eq3A_11 = arith.cmpi eq, %arg0, %eq3A_10 : i32
    %jit3A_12 = arith.constant 122 : i32
    %select_n3A_13 = arith.select %eq3A_11, %jit3A_12, %select_n3A_9 : i32
    %eq3A_14 = arith.constant 4 : i32
    %eq3A_15 = arith.cmpi eq, %arg0, %eq3A_14 : i32
    %jit3A_16 = arith.constant 121 : i32
    %select_n3A_17 = arith.select %eq3A_15, %jit3A_16, %select_n3A_13 : i32
    %eq3A_18 = arith.constant 5 : i32
    %eq3A_19 = arith.cmpi eq, %arg0, %eq3A_18 : i32
    %jit3A_20 = arith.constant 128 : i32
    %select_n3A_21 = arith.select %eq3A_19, %jit3A_20, %select_n3A_17 : i32
    %get3A = arith.constant 0 : index
    %get3A_22 = arith.constant 0 : index
    %get3A_23 = arith.constant 0 : index
    %get3A_24 = vector.load %arg2[%get3A, %get3A_22, %get3A_23] : memref<32x3x832xf32, #tpu.memory_space<vmem>>, vector<32x3x832xf32>
    %reduce_sum3A = arith.constant dense<0.000000e+00> : vector<32x3xf32>
    %reduce_sum3A_25 = vector.multi_reduction <add>, %get3A_24, %reduce_sum3A [2] : vector<32x3x832xf32> to vector<32x3xf32>
    %mul3A = arith.constant 0.00128534704 : f32
    %mul3A_26 = vector.broadcast %mul3A : f32 to vector<32x3xf32>
    %mul3A_27 = arith.mulf %reduce_sum3A_25, %mul3A_26 : vector<32x3xf32>
    %get3A_28 = arith.constant 0 : index
    %get3A_29 = arith.constant 0 : index
    %get3A_30 = arith.constant 0 : index
    %get3A_31 = vector.load %arg1[%get3A_28, %get3A_29, %get3A_30] : memref<1x4096x3xf32, #tpu.memory_space<vmem>>, vector<1x4096x3xf32>
    %get3A_32 = vector.shape_cast %get3A_31 : vector<1x4096x3xf32> to vector<4096x3xf32>
    %reshape3A = vector.shape_cast %get3A_32 : vector<4096x3xf32> to vector<32x128x3xf32>
    %broadcast_in_dim3A = vector.shape_cast %mul3A_27 : vector<32x3xf32> to vector<32x1x3xf32>
    %sub3A = vector.broadcast %broadcast_in_dim3A : vector<32x1x3xf32> to vector<32x128x3xf32>
    %sub3A_33 = arith.subf %reshape3A, %sub3A : vector<32x128x3xf32>
    %reshape3A_34 = vector.shape_cast %sub3A_33 : vector<32x128x3xf32> to vector<4096x3xf32>
    %get3A_35 = arith.constant 0 : index
    %get3A_36 = arith.constant 0 : index
    %get3A_37 = arith.constant 0 : index
    %get3A_38 = vector.load %arg3[%get3A_35, %get3A_36, %get3A_37] : memref<1x3x64xf32, #tpu.memory_space<vmem>>, vector<1x3x64xf32>
    %get3A_39 = vector.shape_cast %get3A_38 : vector<1x3x64xf32> to vector<3x64xf32>
    %dot_general3A = arith.constant dense<0.000000e+00> : vector<4096x64xf32>
    %dot_general3A_40 = tpu.matmul %reshape3A_34, %get3A_39, %dot_general3A {dimension_numbers = #tpu.dot_dimension_numbers<[1], [0], [0], [1], [0, 0, 1, 1], [], []>, transpose_lhs_hint = false} : vector<4096x3xf32>, vector<3x64xf32>, vector<4096x64xf32> -> vector<4096x64xf32>
    %get3A_41 = arith.constant 0 : index
    %get3A_42 = arith.constant 0 : index
    %get3A_43 = arith.constant 0 : index
    %get3A_44 = vector.load %arg4[%get3A_41, %get3A_42, %get3A_43] : memref<1x1x64xf32, #tpu.memory_space<vmem>>, vector<1x1x64xf32>
    %get3A_45 = vector.shape_cast %get3A_44 : vector<1x1x64xf32> to vector<1x64xf32>
    %add3A = vector.broadcast %get3A_45 : vector<1x64xf32> to vector<4096x64xf32>
    %add3A_46 = arith.addf %dot_general3A_40, %add3A : vector<4096x64xf32>
    %max3A = arith.constant 0.000000e+00 : f32
    %max3A_47 = vector.broadcast %max3A : f32 to vector<4096x64xf32>
    %max3A_48 = arith.maximumf %add3A_46, %max3A_47 : vector<4096x64xf32>
    %get3A_49 = arith.constant 0 : index
    %get3A_50 = arith.constant 0 : index
    %get3A_51 = arith.constant 0 : index
    %get3A_52 = vector.load %arg5[%get3A_49, %get3A_50, %get3A_51] : memref<1x64x128xf32, #tpu.memory_space<vmem>>, vector<1x64x128xf32>
    %get3A_53 = vector.shape_cast %get3A_52 : vector<1x64x128xf32> to vector<64x128xf32>
    %dot_general3A_54 = arith.constant dense<0.000000e+00> : vector<4096x128xf32>
    %dot_general3A_55 = tpu.matmul %max3A_48, %get3A_53, %dot_general3A_54 {dimension_numbers = #tpu.dot_dimension_numbers<[1], [0], [0], [1], [0, 0, 1, 1], [], []>, transpose_lhs_hint = false} : vector<4096x64xf32>, vector<64x128xf32>, vector<4096x128xf32> -> vector<4096x128xf32>
    %get3A_56 = arith.constant 0 : index
    %get3A_57 = arith.constant 0 : index
    %get3A_58 = arith.constant 0 : index
    %get3A_59 = vector.load %arg6[%get3A_56, %get3A_57, %get3A_58] : memref<1x1x128xf32, #tpu.memory_space<vmem>>, vector<1x1x128xf32>
    %get3A_60 = vector.shape_cast %get3A_59 : vector<1x1x128xf32> to vector<1x128xf32>
    %add3A_61 = vector.broadcast %get3A_60 : vector<1x128xf32> to vector<4096x128xf32>
    %add3A_62 = arith.addf %dot_general3A_55, %add3A_61 : vector<4096x128xf32>
    %max3A_63 = arith.constant 0.000000e+00 : f32
    %max3A_64 = vector.broadcast %max3A_63 : f32 to vector<4096x128xf32>
    %max3A_65 = arith.maximumf %add3A_62, %max3A_64 : vector<4096x128xf32>
    %get3A_66 = arith.constant 0 : index
    %get3A_67 = arith.constant 0 : index
    %get3A_68 = arith.constant 0 : index
    %get3A_69 = vector.load %arg7[%get3A_66, %get3A_67, %get3A_68] : memref<1x128x1024xf32, #tpu.memory_space<vmem>>, vector<1x128x1024xf32>
    %get3A_70 = vector.shape_cast %get3A_69 : vector<1x128x1024xf32> to vector<128x1024xf32>
    %dot_general3A_71 = arith.constant dense<0.000000e+00> : vector<4096x1024xf32>
    %dot_general3A_72 = tpu.matmul %max3A_65, %get3A_70, %dot_general3A_71 {dimension_numbers = #tpu.dot_dimension_numbers<[1], [0], [0], [1], [0, 0, 1, 1], [], []>, transpose_lhs_hint = false} : vector<4096x128xf32>, vector<128x1024xf32>, vector<4096x1024xf32> -> vector<4096x1024xf32>
    %get3A_73 = arith.constant 0 : index
    %get3A_74 = arith.constant 0 : index
    %get3A_75 = arith.constant 0 : index
    %get3A_76 = vector.load %arg8[%get3A_73, %get3A_74, %get3A_75] : memref<1x1x1024xf32, #tpu.memory_space<vmem>>, vector<1x1x1024xf32>
    %get3A_77 = vector.shape_cast %get3A_76 : vector<1x1x1024xf32> to vector<1x1024xf32>
    %add3A_78 = vector.broadcast %get3A_77 : vector<1x1024xf32> to vector<4096x1024xf32>
    %add3A_79 = arith.addf %dot_general3A_72, %add3A_78 : vector<4096x1024xf32>
    %reshape3A_80 = vector.shape_cast %add3A_79 : vector<4096x1024xf32> to vector<32x128x1024xf32>
    %iota3A = tpu.iota {dimensions = array<i32: 1>} : vector<32x128x1xi32>
    %lt3A = vector.broadcast %select_n3A_21 : i32 to vector<32x128x1xi32>
    %lt3A_81 = arith.cmpi slt, %iota3A, %lt3A : vector<32x128x1xi32>
    %jit3A_82 = arith.constant -1.000000e+30 : f32
    %broadcast_in_dim3A_83 = vector.shape_cast %lt3A_81 : vector<32x128x1xi1> to vector<32x128x1xi1>
    %broadcast_in_dim3A_84 = vector.broadcast %broadcast_in_dim3A_83 : vector<32x128x1xi1> to vector<32x128x1024xi1>
    %broadcast_in_dim3A_85 = vector.broadcast %jit3A_82 : f32 to vector<32x128x1024xf32>
    %select_n3A_86 = arith.select %broadcast_in_dim3A_84, %reshape3A_80, %broadcast_in_dim3A_85 : vector<32x128x1024xi1>, vector<32x128x1024xf32>
    %reduce_max3A = arith.constant dense<0xFF800000> : vector<32x1024xf32>
    %reduce_max3A_87 = vector.multi_reduction <maximumf>, %select_n3A_86, %reduce_max3A [1] : vector<32x128x1024xf32> to vector<32x1024xf32>
    %lt3A_88 = arith.constant 6 : i32
    %lt3A_89 = arith.cmpi slt, %arg0, %lt3A_88 : i32
    %convert_element_type3A = arith.extui %lt3A_89 : i1 to i32
    %cond3A = arith.constant 0 : i32
    %cond3A_90 = arith.cmpi ne, %convert_element_type3A, %cond3A : i32
    scf.if %cond3A_90 {
      %swap3A = arith.constant 0 : index
      %swap3A_96 = arith.constant 0 : index
      %swap3A_97 = arith.constant 0 : index
      %swap3A_98 = vector.load %arg9[%swap3A, %swap3A_96, %swap3A_97] : memref<1x32x1024xf32, #tpu.memory_space<vmem>>, vector<1x32x1024xf32>
      %swap3A_99 = vector.shape_cast %swap3A_98 : vector<1x32x1024xf32> to vector<32x1024xf32>
      %swap3A_100 = vector.shape_cast %reduce_max3A_87 : vector<32x1024xf32> to vector<1x32x1024xf32>
      tpu.vector_store %arg9[%swap3A, %swap3A_96, %swap3A_97], %swap3A_100 {strides = array<i32>} : memref<1x32x1024xf32, #tpu.memory_space<vmem>>, vector<1x32x1024xf32>,
    } else {
    }
    %eq3A_91 = arith.constant 6 : i32
    %eq3A_92 = arith.cmpi eq, %arg0, %eq3A_91 : i32
    %convert_element_type3A_93 = arith.extui %eq3A_92 : i1 to i32
    %cond3A_94 = arith.constant 0 : i32
    %cond3A_95 = arith.cmpi ne, %convert_element_type3A_93, %cond3A_94 : i32
    scf.if %cond3A_95 {
      %get3A_96 = arith.constant 0 : index
      %get3A_97 = arith.constant 0 : index
      %get3A_98 = arith.constant 0 : index
      %get3A_99 = vector.load %arg9[%get3A_96, %get3A_97, %get3A_98] : memref<1x32x1024xf32, #tpu.memory_space<vmem>>, vector<1x32x1024xf32>
      %get3A_100 = vector.shape_cast %get3A_99 : vector<1x32x1024xf32> to vector<32x1024xf32>
      %max3A_101 = arith.maximumf %get3A_100, %reduce_max3A_87 : vector<32x1024xf32>
      %swap3A = arith.constant 0 : index
      %swap3A_102 = arith.constant 0 : index
      %swap3A_103 = arith.constant 0 : index
      %swap3A_104 = vector.load %arg9[%swap3A, %swap3A_102, %swap3A_103] : memref<1x32x1024xf32, #tpu.memory_space<vmem>>, vector<1x32x1024xf32>
      %swap3A_105 = vector.shape_cast %swap3A_104 : vector<1x32x1024xf32> to vector<32x1024xf32>
      %swap3A_106 = vector.shape_cast %max3A_101 : vector<32x1024xf32> to vector<1x32x1024xf32>
      tpu.vector_store %arg9[%swap3A, %swap3A_102, %swap3A_103], %swap3A_106 {strides = array<i32>} : memref<1x32x1024xf32, #tpu.memory_space<vmem>>, vector<1x32x1024xf32>,
    } else {
    }
    return
  }
  func.func @transform_0(%arg0: i32) -> (i32, i32, i32) {
    %c0_i32 = arith.constant 0 : i32
    %c0_i32_0 = arith.constant 0 : i32
    %c0_i32_1 = arith.constant 0 : i32
    return %arg0, %c0_i32, %c0_i32_0 : i32, i32, i32
  }
  func.func @transform_1(%arg0: i32) -> (i32, i32, i32) {
    %c0_i32 = arith.constant 0 : i32
    %c0_i32_0 = arith.constant 0 : i32
    %c0_i32_1 = arith.constant 0 : i32
    %c0_i32_2 = arith.constant 0 : i32
    return %c0_i32, %c0_i32_0, %c0_i32_1 : i32, i32, i32
  }
  func.func @transform_2(%arg0: i32) -> (i32, i32, i32) {
    %min3A = arith.constant 5 : i32
    %min3A_0 = arith.minsi %arg0, %min3A : i32
    %c0_i32 = arith.constant 0 : i32
    %c0_i32_1 = arith.constant 0 : i32
    %c0_i32_2 = arith.constant 0 : i32
    return %min3A_0, %c0_i32, %c0_i32_1 : i32, i32, i32
  }
  func.func @transform_3(%arg0: i32) -> (i32, i32, i32) {
    %min3A = arith.constant 5 : i32
    %min3A_0 = arith.minsi %arg0, %min3A : i32
    %c0_i32 = arith.constant 0 : i32
    %c0_i32_1 = arith.constant 0 : i32
    %c0_i32_2 = arith.constant 0 : i32
    return %min3A_0, %c0_i32, %c0_i32_1 : i32, i32, i32
  }
  func.func @transform_4(%arg0: i32) -> (i32, i32, i32) {
    %min3A = arith.constant 5 : i32
    %min3A_0 = arith.minsi %arg0, %min3A : i32
    %c0_i32 = arith.constant 0 : i32
    %c0_i32_1 = arith.constant 0 : i32
    %c0_i32_2 = arith.constant 0 : i32
    return %min3A_0, %c0_i32, %c0_i32_1 : i32, i32, i32
  }
  func.func @transform_5(%arg0: i32) -> (i32, i32, i32) {
    %min3A = arith.constant 5 : i32
    %min3A_0 = arith.minsi %arg0, %min3A : i32
    %c0_i32 = arith.constant 0 : i32
    %c0_i32_1 = arith.constant 0 : i32
    %c0_i32_2 = arith.constant 0 : i32
    return %min3A_0, %c0_i32, %c0_i32_1 : i32, i32, i32
  }
  func.func @transform_6(%arg0: i32) -> (i32, i32, i32) {
    %min3A = arith.constant 5 : i32
    %min3A_0 = arith.minsi %arg0, %min3A : i32
    %c0_i32 = arith.constant 0 : i32
    %c0_i32_1 = arith.constant 0 : i32
    %c0_i32_2 = arith.constant 0 : i32
    return %min3A_0, %c0_i32, %c0_i32_1 : i32, i32, i32
  }
  func.func @transform_7(%arg0: i32) -> (i32, i32, i32) {
    %min3A = arith.constant 5 : i32
    %min3A_0 = arith.minsi %arg0, %min3A : i32
    %c0_i32 = arith.constant 0 : i32
    %c0_i32_1 = arith.constant 0 : i32
    %c0_i32_2 = arith.constant 0 : i32
    return %min3A_0, %c0_i32, %c0_i32_1 : i32, i32, i32
  }
  func.func @transform_8(%arg0: i32) -> (i32, i32, i32) {
    %min3A = arith.constant 5 : i32
    %min3A_0 = arith.minsi %arg0, %min3A : i32
    %c0_i32 = arith.constant 0 : i32
    %c0_i32_1 = arith.constant 0 : i32
    %c0_i32_2 = arith.constant 0 : i32
    return %min3A_0, %c0_i32, %c0_i32_1 : i32, i32, i32
  }
}

module attributes {stable_mosaic.version = 14 : i64} {
  func.func @_obj_pn_kernel(%arg0: i32, %arg1: memref<8x4x2048xf32, #tpu.memory_space<vmem>>, %arg2: memref<4x64xf32, #tpu.memory_space<vmem>>, %arg3: memref<1x64xf32, #tpu.memory_space<vmem>>, %arg4: memref<64x128xf32, #tpu.memory_space<vmem>>, %arg5: memref<1x128xf32, #tpu.memory_space<vmem>>, %arg6: memref<128x1024xf32, #tpu.memory_space<vmem>>, %arg7: memref<1x1024xf32, #tpu.memory_space<vmem>>, %arg8: memref<4x64xf32, #tpu.memory_space<vmem>>, %arg9: memref<1x64xf32, #tpu.memory_space<vmem>>, %arg10: memref<64x128xf32, #tpu.memory_space<vmem>>, %arg11: memref<1x128xf32, #tpu.memory_space<vmem>>, %arg12: memref<128x1024xf32, #tpu.memory_space<vmem>>, %arg13: memref<1x1024xf32, #tpu.memory_space<vmem>>, %arg14: memref<8x1x1024xf32, #tpu.memory_space<vmem>>, %arg15: memref<8x1x1024xf32, #tpu.memory_space<vmem>>) attributes {dimension_semantics = [#tpu.dimension_semantics<arbitrary>], iteration_bounds = array<i64: 4>, scalar_prefetch = 0 : i64, scratch_operands = 0 : i64, tpu.core_type = #tpu.core_type<tc>, window_params = [{transform_indices = @transform_0, window_bounds = array<i64: 8, 4, 2048>}, {pipeline_mode = #tpu.pipeline_mode<synchronous>, transform_indices = @transform_1, window_bounds = array<i64: 4, 64>}, {pipeline_mode = #tpu.pipeline_mode<synchronous>, transform_indices = @transform_2, window_bounds = array<i64: 1, 64>}, {pipeline_mode = #tpu.pipeline_mode<synchronous>, transform_indices = @transform_3, window_bounds = array<i64: 64, 128>}, {pipeline_mode = #tpu.pipeline_mode<synchronous>, transform_indices = @transform_4, window_bounds = array<i64: 1, 128>}, {pipeline_mode = #tpu.pipeline_mode<synchronous>, transform_indices = @transform_5, window_bounds = array<i64: 128, 1024>}, {pipeline_mode = #tpu.pipeline_mode<synchronous>, transform_indices = @transform_6, window_bounds = array<i64: 1, 1024>}, {pipeline_mode = #tpu.pipeline_mode<synchronous>, transform_indices = @transform_7, window_bounds = array<i64: 4, 64>}, {pipeline_mode = #tpu.pipeline_mode<synchronous>, transform_indices = @transform_8, window_bounds = array<i64: 1, 64>}, {pipeline_mode = #tpu.pipeline_mode<synchronous>, transform_indices = @transform_9, window_bounds = array<i64: 64, 128>}, {pipeline_mode = #tpu.pipeline_mode<synchronous>, transform_indices = @transform_10, window_bounds = array<i64: 1, 128>}, {pipeline_mode = #tpu.pipeline_mode<synchronous>, transform_indices = @transform_11, window_bounds = array<i64: 128, 1024>}, {pipeline_mode = #tpu.pipeline_mode<synchronous>, transform_indices = @transform_12, window_bounds = array<i64: 1, 1024>}, {transform_indices = @transform_13, window_bounds = array<i64: 8, 1, 1024>}, {transform_indices = @transform_14, window_bounds = array<i64: 8, 1, 1024>}]} {
    %get3A = arith.constant 0 : index
    %get3A_0 = arith.constant 0 : index
    %get3A_1 = arith.constant 0 : index
    %get3A_2 = vector.load %arg1[%get3A, %get3A_0, %get3A_1] : memref<8x4x2048xf32, #tpu.memory_space<vmem>>, vector<1x4x2048xf32>
    %get3A_3 = vector.shape_cast %get3A_2 : vector<1x4x2048xf32> to vector<4x2048xf32>
    %get3A_4 = arith.constant 0 : index
    %get3A_5 = arith.constant 0 : index
    %get3A_6 = vector.load %arg2[%get3A_4, %get3A_5] : memref<4x64xf32, #tpu.memory_space<vmem>>, vector<4x64xf32>
    %dot_general3A = arith.constant dense<0.000000e+00> : vector<2048x64xf32>
    %dot_general3A_7 = tpu.matmul %get3A_3, %get3A_6, %dot_general3A {dimension_numbers = #tpu.dot_dimension_numbers<[0], [0], [1], [1], [0, 1, 1, 1], [], []>, transpose_lhs_hint = false} : vector<4x2048xf32>, vector<4x64xf32>, vector<2048x64xf32> -> vector<2048x64xf32>
    %get3A_8 = arith.constant 0 : index
    %get3A_9 = arith.constant 0 : index
    %get3A_10 = vector.load %arg3[%get3A_8, %get3A_9] : memref<1x64xf32, #tpu.memory_space<vmem>>, vector<1x64xf32>
    %add3A = vector.broadcast %get3A_10 : vector<1x64xf32> to vector<2048x64xf32>
    %add3A_11 = arith.addf %dot_general3A_7, %add3A : vector<2048x64xf32>
    %max3A = arith.constant 0.000000e+00 : f32
    %max3A_12 = vector.broadcast %max3A : f32 to vector<2048x64xf32>
    %max3A_13 = arith.maximumf %add3A_11, %max3A_12 : vector<2048x64xf32>
    %get3A_14 = arith.constant 0 : index
    %get3A_15 = arith.constant 0 : index
    %get3A_16 = vector.load %arg4[%get3A_14, %get3A_15] : memref<64x128xf32, #tpu.memory_space<vmem>>, vector<64x128xf32>
    %dot_general3A_17 = arith.constant dense<0.000000e+00> : vector<2048x128xf32>
    %dot_general3A_18 = tpu.matmul %max3A_13, %get3A_16, %dot_general3A_17 {dimension_numbers = #tpu.dot_dimension_numbers<[1], [0], [0], [1], [0, 0, 1, 1], [], []>, transpose_lhs_hint = false} : vector<2048x64xf32>, vector<64x128xf32>, vector<2048x128xf32> -> vector<2048x128xf32>
    %get3A_19 = arith.constant 0 : index
    %get3A_20 = arith.constant 0 : index
    %get3A_21 = vector.load %arg5[%get3A_19, %get3A_20] : memref<1x128xf32, #tpu.memory_space<vmem>>, vector<1x128xf32>
    %add3A_22 = vector.broadcast %get3A_21 : vector<1x128xf32> to vector<2048x128xf32>
    %add3A_23 = arith.addf %dot_general3A_18, %add3A_22 : vector<2048x128xf32>
    %max3A_24 = arith.constant 0.000000e+00 : f32
    %max3A_25 = vector.broadcast %max3A_24 : f32 to vector<2048x128xf32>
    %max3A_26 = arith.maximumf %add3A_23, %max3A_25 : vector<2048x128xf32>
    %get3A_27 = arith.constant 0 : index
    %get3A_28 = arith.constant 0 : index
    %get3A_29 = vector.load %arg6[%get3A_27, %get3A_28] : memref<128x1024xf32, #tpu.memory_space<vmem>>, vector<128x1024xf32>
    %dot_general3A_30 = arith.constant dense<0.000000e+00> : vector<2048x1024xf32>
    %dot_general3A_31 = tpu.matmul %max3A_26, %get3A_29, %dot_general3A_30 {dimension_numbers = #tpu.dot_dimension_numbers<[1], [0], [0], [1], [0, 0, 1, 1], [], []>, transpose_lhs_hint = false} : vector<2048x128xf32>, vector<128x1024xf32>, vector<2048x1024xf32> -> vector<2048x1024xf32>
    %get3A_32 = arith.constant 0 : index
    %get3A_33 = arith.constant 0 : index
    %get3A_34 = vector.load %arg7[%get3A_32, %get3A_33] : memref<1x1024xf32, #tpu.memory_space<vmem>>, vector<1x1024xf32>
    %add3A_35 = vector.broadcast %get3A_34 : vector<1x1024xf32> to vector<2048x1024xf32>
    %add3A_36 = arith.addf %dot_general3A_31, %add3A_35 : vector<2048x1024xf32>
    %reduce_max3A = arith.constant dense<0xFF800000> : vector<1024xf32>
    %reduce_max3A_37 = vector.multi_reduction <maximumf>, %add3A_36, %reduce_max3A [0] : vector<2048x1024xf32> to vector<1024xf32>
    %broadcast_in_dim3A = vector.shape_cast %reduce_max3A_37 : vector<1024xf32> to vector<1x1024xf32>
    %get3A_38 = arith.constant 0 : index
    %get3A_39 = arith.constant 0 : index
    %get3A_40 = vector.load %arg8[%get3A_38, %get3A_39] : memref<4x64xf32, #tpu.memory_space<vmem>>, vector<4x64xf32>
    %dot_general3A_41 = arith.constant dense<0.000000e+00> : vector<2048x64xf32>
    %dot_general3A_42 = tpu.matmul %get3A_3, %get3A_40, %dot_general3A_41 {dimension_numbers = #tpu.dot_dimension_numbers<[0], [0], [1], [1], [0, 1, 1, 1], [], []>, transpose_lhs_hint = false} : vector<4x2048xf32>, vector<4x64xf32>, vector<2048x64xf32> -> vector<2048x64xf32>
    %get3A_43 = arith.constant 0 : index
    %get3A_44 = arith.constant 0 : index
    %get3A_45 = vector.load %arg9[%get3A_43, %get3A_44] : memref<1x64xf32, #tpu.memory_space<vmem>>, vector<1x64xf32>
    %add3A_46 = vector.broadcast %get3A_45 : vector<1x64xf32> to vector<2048x64xf32>
    %add3A_47 = arith.addf %dot_general3A_42, %add3A_46 : vector<2048x64xf32>
    %max3A_48 = arith.constant 0.000000e+00 : f32
    %max3A_49 = vector.broadcast %max3A_48 : f32 to vector<2048x64xf32>
    %max3A_50 = arith.maximumf %add3A_47, %max3A_49 : vector<2048x64xf32>
    %get3A_51 = arith.constant 0 : index
    %get3A_52 = arith.constant 0 : index
    %get3A_53 = vector.load %arg10[%get3A_51, %get3A_52] : memref<64x128xf32, #tpu.memory_space<vmem>>, vector<64x128xf32>
    %dot_general3A_54 = arith.constant dense<0.000000e+00> : vector<2048x128xf32>
    %dot_general3A_55 = tpu.matmul %max3A_50, %get3A_53, %dot_general3A_54 {dimension_numbers = #tpu.dot_dimension_numbers<[1], [0], [0], [1], [0, 0, 1, 1], [], []>, transpose_lhs_hint = false} : vector<2048x64xf32>, vector<64x128xf32>, vector<2048x128xf32> -> vector<2048x128xf32>
    %get3A_56 = arith.constant 0 : index
    %get3A_57 = arith.constant 0 : index
    %get3A_58 = vector.load %arg11[%get3A_56, %get3A_57] : memref<1x128xf32, #tpu.memory_space<vmem>>, vector<1x128xf32>
    %add3A_59 = vector.broadcast %get3A_58 : vector<1x128xf32> to vector<2048x128xf32>
    %add3A_60 = arith.addf %dot_general3A_55, %add3A_59 : vector<2048x128xf32>
    %max3A_61 = arith.constant 0.000000e+00 : f32
    %max3A_62 = vector.broadcast %max3A_61 : f32 to vector<2048x128xf32>
    %max3A_63 = arith.maximumf %add3A_60, %max3A_62 : vector<2048x128xf32>
    %get3A_64 = arith.constant 0 : index
    %get3A_65 = arith.constant 0 : index
    %get3A_66 = vector.load %arg12[%get3A_64, %get3A_65] : memref<128x1024xf32, #tpu.memory_space<vmem>>, vector<128x1024xf32>
    %dot_general3A_67 = arith.constant dense<0.000000e+00> : vector<2048x1024xf32>
    %dot_general3A_68 = tpu.matmul %max3A_63, %get3A_66, %dot_general3A_67 {dimension_numbers = #tpu.dot_dimension_numbers<[1], [0], [0], [1], [0, 0, 1, 1], [], []>, transpose_lhs_hint = false} : vector<2048x128xf32>, vector<128x1024xf32>, vector<2048x1024xf32> -> vector<2048x1024xf32>
    %get3A_69 = arith.constant 0 : index
    %get3A_70 = arith.constant 0 : index
    %get3A_71 = vector.load %arg13[%get3A_69, %get3A_70] : memref<1x1024xf32, #tpu.memory_space<vmem>>, vector<1x1024xf32>
    %add3A_72 = vector.broadcast %get3A_71 : vector<1x1024xf32> to vector<2048x1024xf32>
    %add3A_73 = arith.addf %dot_general3A_68, %add3A_72 : vector<2048x1024xf32>
    %reduce_max3A_74 = arith.constant dense<0xFF800000> : vector<1024xf32>
    %reduce_max3A_75 = vector.multi_reduction <maximumf>, %add3A_73, %reduce_max3A_74 [0] : vector<2048x1024xf32> to vector<1024xf32>
    %broadcast_in_dim3A_76 = vector.shape_cast %reduce_max3A_75 : vector<1024xf32> to vector<1x1024xf32>
    %get3A_77 = arith.constant 1 : index
    %get3A_78 = arith.constant 0 : index
    %get3A_79 = arith.constant 0 : index
    %get3A_80 = vector.load %arg1[%get3A_77, %get3A_78, %get3A_79] : memref<8x4x2048xf32, #tpu.memory_space<vmem>>, vector<1x4x2048xf32>
    %get3A_81 = vector.shape_cast %get3A_80 : vector<1x4x2048xf32> to vector<4x2048xf32>
    %get3A_82 = arith.constant 0 : index
    %get3A_83 = arith.constant 0 : index
    %get3A_84 = vector.load %arg2[%get3A_82, %get3A_83] : memref<4x64xf32, #tpu.memory_space<vmem>>, vector<4x64xf32>
    %dot_general3A_85 = arith.constant dense<0.000000e+00> : vector<2048x64xf32>
    %dot_general3A_86 = tpu.matmul %get3A_81, %get3A_84, %dot_general3A_85 {dimension_numbers = #tpu.dot_dimension_numbers<[0], [0], [1], [1], [0, 1, 1, 1], [], []>, transpose_lhs_hint = false} : vector<4x2048xf32>, vector<4x64xf32>, vector<2048x64xf32> -> vector<2048x64xf32>
    %get3A_87 = arith.constant 0 : index
    %get3A_88 = arith.constant 0 : index
    %get3A_89 = vector.load %arg3[%get3A_87, %get3A_88] : memref<1x64xf32, #tpu.memory_space<vmem>>, vector<1x64xf32>
    %add3A_90 = vector.broadcast %get3A_89 : vector<1x64xf32> to vector<2048x64xf32>
    %add3A_91 = arith.addf %dot_general3A_86, %add3A_90 : vector<2048x64xf32>
    %max3A_92 = arith.constant 0.000000e+00 : f32
    %max3A_93 = vector.broadcast %max3A_92 : f32 to vector<2048x64xf32>
    %max3A_94 = arith.maximumf %add3A_91, %max3A_93 : vector<2048x64xf32>
    %get3A_95 = arith.constant 0 : index
    %get3A_96 = arith.constant 0 : index
    %get3A_97 = vector.load %arg4[%get3A_95, %get3A_96] : memref<64x128xf32, #tpu.memory_space<vmem>>, vector<64x128xf32>
    %dot_general3A_98 = arith.constant dense<0.000000e+00> : vector<2048x128xf32>
    %dot_general3A_99 = tpu.matmul %max3A_94, %get3A_97, %dot_general3A_98 {dimension_numbers = #tpu.dot_dimension_numbers<[1], [0], [0], [1], [0, 0, 1, 1], [], []>, transpose_lhs_hint = false} : vector<2048x64xf32>, vector<64x128xf32>, vector<2048x128xf32> -> vector<2048x128xf32>
    %get3A_100 = arith.constant 0 : index
    %get3A_101 = arith.constant 0 : index
    %get3A_102 = vector.load %arg5[%get3A_100, %get3A_101] : memref<1x128xf32, #tpu.memory_space<vmem>>, vector<1x128xf32>
    %add3A_103 = vector.broadcast %get3A_102 : vector<1x128xf32> to vector<2048x128xf32>
    %add3A_104 = arith.addf %dot_general3A_99, %add3A_103 : vector<2048x128xf32>
    %max3A_105 = arith.constant 0.000000e+00 : f32
    %max3A_106 = vector.broadcast %max3A_105 : f32 to vector<2048x128xf32>
    %max3A_107 = arith.maximumf %add3A_104, %max3A_106 : vector<2048x128xf32>
    %get3A_108 = arith.constant 0 : index
    %get3A_109 = arith.constant 0 : index
    %get3A_110 = vector.load %arg6[%get3A_108, %get3A_109] : memref<128x1024xf32, #tpu.memory_space<vmem>>, vector<128x1024xf32>
    %dot_general3A_111 = arith.constant dense<0.000000e+00> : vector<2048x1024xf32>
    %dot_general3A_112 = tpu.matmul %max3A_107, %get3A_110, %dot_general3A_111 {dimension_numbers = #tpu.dot_dimension_numbers<[1], [0], [0], [1], [0, 0, 1, 1], [], []>, transpose_lhs_hint = false} : vector<2048x128xf32>, vector<128x1024xf32>, vector<2048x1024xf32> -> vector<2048x1024xf32>
    %get3A_113 = arith.constant 0 : index
    %get3A_114 = arith.constant 0 : index
    %get3A_115 = vector.load %arg7[%get3A_113, %get3A_114] : memref<1x1024xf32, #tpu.memory_space<vmem>>, vector<1x1024xf32>
    %add3A_116 = vector.broadcast %get3A_115 : vector<1x1024xf32> to vector<2048x1024xf32>
    %add3A_117 = arith.addf %dot_general3A_112, %add3A_116 : vector<2048x1024xf32>
    %reduce_max3A_118 = arith.constant dense<0xFF800000> : vector<1024xf32>
    %reduce_max3A_119 = vector.multi_reduction <maximumf>, %add3A_117, %reduce_max3A_118 [0] : vector<2048x1024xf32> to vector<1024xf32>
    %broadcast_in_dim3A_120 = vector.shape_cast %reduce_max3A_119 : vector<1024xf32> to vector<1x1024xf32>
    %get3A_121 = arith.constant 0 : index
    %get3A_122 = arith.constant 0 : index
    %get3A_123 = vector.load %arg8[%get3A_121, %get3A_122] : memref<4x64xf32, #tpu.memory_space<vmem>>, vector<4x64xf32>
    %dot_general3A_124 = arith.constant dense<0.000000e+00> : vector<2048x64xf32>
    %dot_general3A_125 = tpu.matmul %get3A_81, %get3A_123, %dot_general3A_124 {dimension_numbers = #tpu.dot_dimension_numbers<[0], [0], [1], [1], [0, 1, 1, 1], [], []>, transpose_lhs_hint = false} : vector<4x2048xf32>, vector<4x64xf32>, vector<2048x64xf32> -> vector<2048x64xf32>
    %get3A_126 = arith.constant 0 : index
    %get3A_127 = arith.constant 0 : index
    %get3A_128 = vector.load %arg9[%get3A_126, %get3A_127] : memref<1x64xf32, #tpu.memory_space<vmem>>, vector<1x64xf32>
    %add3A_129 = vector.broadcast %get3A_128 : vector<1x64xf32> to vector<2048x64xf32>
    %add3A_130 = arith.addf %dot_general3A_125, %add3A_129 : vector<2048x64xf32>
    %max3A_131 = arith.constant 0.000000e+00 : f32
    %max3A_132 = vector.broadcast %max3A_131 : f32 to vector<2048x64xf32>
    %max3A_133 = arith.maximumf %add3A_130, %max3A_132 : vector<2048x64xf32>
    %get3A_134 = arith.constant 0 : index
    %get3A_135 = arith.constant 0 : index
    %get3A_136 = vector.load %arg10[%get3A_134, %get3A_135] : memref<64x128xf32, #tpu.memory_space<vmem>>, vector<64x128xf32>
    %dot_general3A_137 = arith.constant dense<0.000000e+00> : vector<2048x128xf32>
    %dot_general3A_138 = tpu.matmul %max3A_133, %get3A_136, %dot_general3A_137 {dimension_numbers = #tpu.dot_dimension_numbers<[1], [0], [0], [1], [0, 0, 1, 1], [], []>, transpose_lhs_hint = false} : vector<2048x64xf32>, vector<64x128xf32>, vector<2048x128xf32> -> vector<2048x128xf32>
    %get3A_139 = arith.constant 0 : index
    %get3A_140 = arith.constant 0 : index
    %get3A_141 = vector.load %arg11[%get3A_139, %get3A_140] : memref<1x128xf32, #tpu.memory_space<vmem>>, vector<1x128xf32>
    %add3A_142 = vector.broadcast %get3A_141 : vector<1x128xf32> to vector<2048x128xf32>
    %add3A_143 = arith.addf %dot_general3A_138, %add3A_142 : vector<2048x128xf32>
    %max3A_144 = arith.constant 0.000000e+00 : f32
    %max3A_145 = vector.broadcast %max3A_144 : f32 to vector<2048x128xf32>
    %max3A_146 = arith.maximumf %add3A_143, %max3A_145 : vector<2048x128xf32>
    %get3A_147 = arith.constant 0 : index
    %get3A_148 = arith.constant 0 : index
    %get3A_149 = vector.load %arg12[%get3A_147, %get3A_148] : memref<128x1024xf32, #tpu.memory_space<vmem>>, vector<128x1024xf32>
    %dot_general3A_150 = arith.constant dense<0.000000e+00> : vector<2048x1024xf32>
    %dot_general3A_151 = tpu.matmul %max3A_146, %get3A_149, %dot_general3A_150 {dimension_numbers = #tpu.dot_dimension_numbers<[1], [0], [0], [1], [0, 0, 1, 1], [], []>, transpose_lhs_hint = false} : vector<2048x128xf32>, vector<128x1024xf32>, vector<2048x1024xf32> -> vector<2048x1024xf32>
    %get3A_152 = arith.constant 0 : index
    %get3A_153 = arith.constant 0 : index
    %get3A_154 = vector.load %arg13[%get3A_152, %get3A_153] : memref<1x1024xf32, #tpu.memory_space<vmem>>, vector<1x1024xf32>
    %add3A_155 = vector.broadcast %get3A_154 : vector<1x1024xf32> to vector<2048x1024xf32>
    %add3A_156 = arith.addf %dot_general3A_151, %add3A_155 : vector<2048x1024xf32>
    %reduce_max3A_157 = arith.constant dense<0xFF800000> : vector<1024xf32>
    %reduce_max3A_158 = vector.multi_reduction <maximumf>, %add3A_156, %reduce_max3A_157 [0] : vector<2048x1024xf32> to vector<1024xf32>
    %broadcast_in_dim3A_159 = vector.shape_cast %reduce_max3A_158 : vector<1024xf32> to vector<1x1024xf32>
    %get3A_160 = arith.constant 2 : index
    %get3A_161 = arith.constant 0 : index
    %get3A_162 = arith.constant 0 : index
    %get3A_163 = vector.load %arg1[%get3A_160, %get3A_161, %get3A_162] : memref<8x4x2048xf32, #tpu.memory_space<vmem>>, vector<1x4x2048xf32>
    %get3A_164 = vector.shape_cast %get3A_163 : vector<1x4x2048xf32> to vector<4x2048xf32>
    %get3A_165 = arith.constant 0 : index
    %get3A_166 = arith.constant 0 : index
    %get3A_167 = vector.load %arg2[%get3A_165, %get3A_166] : memref<4x64xf32, #tpu.memory_space<vmem>>, vector<4x64xf32>
    %dot_general3A_168 = arith.constant dense<0.000000e+00> : vector<2048x64xf32>
    %dot_general3A_169 = tpu.matmul %get3A_164, %get3A_167, %dot_general3A_168 {dimension_numbers = #tpu.dot_dimension_numbers<[0], [0], [1], [1], [0, 1, 1, 1], [], []>, transpose_lhs_hint = false} : vector<4x2048xf32>, vector<4x64xf32>, vector<2048x64xf32> -> vector<2048x64xf32>
    %get3A_170 = arith.constant 0 : index
    %get3A_171 = arith.constant 0 : index
    %get3A_172 = vector.load %arg3[%get3A_170, %get3A_171] : memref<1x64xf32, #tpu.memory_space<vmem>>, vector<1x64xf32>
    %add3A_173 = vector.broadcast %get3A_172 : vector<1x64xf32> to vector<2048x64xf32>
    %add3A_174 = arith.addf %dot_general3A_169, %add3A_173 : vector<2048x64xf32>
    %max3A_175 = arith.constant 0.000000e+00 : f32
    %max3A_176 = vector.broadcast %max3A_175 : f32 to vector<2048x64xf32>
    %max3A_177 = arith.maximumf %add3A_174, %max3A_176 : vector<2048x64xf32>
    %get3A_178 = arith.constant 0 : index
    %get3A_179 = arith.constant 0 : index
    %get3A_180 = vector.load %arg4[%get3A_178, %get3A_179] : memref<64x128xf32, #tpu.memory_space<vmem>>, vector<64x128xf32>
    %dot_general3A_181 = arith.constant dense<0.000000e+00> : vector<2048x128xf32>
    %dot_general3A_182 = tpu.matmul %max3A_177, %get3A_180, %dot_general3A_181 {dimension_numbers = #tpu.dot_dimension_numbers<[1], [0], [0], [1], [0, 0, 1, 1], [], []>, transpose_lhs_hint = false} : vector<2048x64xf32>, vector<64x128xf32>, vector<2048x128xf32> -> vector<2048x128xf32>
    %get3A_183 = arith.constant 0 : index
    %get3A_184 = arith.constant 0 : index
    %get3A_185 = vector.load %arg5[%get3A_183, %get3A_184] : memref<1x128xf32, #tpu.memory_space<vmem>>, vector<1x128xf32>
    %add3A_186 = vector.broadcast %get3A_185 : vector<1x128xf32> to vector<2048x128xf32>
    %add3A_187 = arith.addf %dot_general3A_182, %add3A_186 : vector<2048x128xf32>
    %max3A_188 = arith.constant 0.000000e+00 : f32
    %max3A_189 = vector.broadcast %max3A_188 : f32 to vector<2048x128xf32>
    %max3A_190 = arith.maximumf %add3A_187, %max3A_189 : vector<2048x128xf32>
    %get3A_191 = arith.constant 0 : index
    %get3A_192 = arith.constant 0 : index
    %get3A_193 = vector.load %arg6[%get3A_191, %get3A_192] : memref<128x1024xf32, #tpu.memory_space<vmem>>, vector<128x1024xf32>
    %dot_general3A_194 = arith.constant dense<0.000000e+00> : vector<2048x1024xf32>
    %dot_general3A_195 = tpu.matmul %max3A_190, %get3A_193, %dot_general3A_194 {dimension_numbers = #tpu.dot_dimension_numbers<[1], [0], [0], [1], [0, 0, 1, 1], [], []>, transpose_lhs_hint = false} : vector<2048x128xf32>, vector<128x1024xf32>, vector<2048x1024xf32> -> vector<2048x1024xf32>
    %get3A_196 = arith.constant 0 : index
    %get3A_197 = arith.constant 0 : index
    %get3A_198 = vector.load %arg7[%get3A_196, %get3A_197] : memref<1x1024xf32, #tpu.memory_space<vmem>>, vector<1x1024xf32>
    %add3A_199 = vector.broadcast %get3A_198 : vector<1x1024xf32> to vector<2048x1024xf32>
    %add3A_200 = arith.addf %dot_general3A_195, %add3A_199 : vector<2048x1024xf32>
    %reduce_max3A_201 = arith.constant dense<0xFF800000> : vector<1024xf32>
    %reduce_max3A_202 = vector.multi_reduction <maximumf>, %add3A_200, %reduce_max3A_201 [0] : vector<2048x1024xf32> to vector<1024xf32>
    %broadcast_in_dim3A_203 = vector.shape_cast %reduce_max3A_202 : vector<1024xf32> to vector<1x1024xf32>
    %get3A_204 = arith.constant 0 : index
    %get3A_205 = arith.constant 0 : index
    %get3A_206 = vector.load %arg8[%get3A_204, %get3A_205] : memref<4x64xf32, #tpu.memory_space<vmem>>, vector<4x64xf32>
    %dot_general3A_207 = arith.constant dense<0.000000e+00> : vector<2048x64xf32>
    %dot_general3A_208 = tpu.matmul %get3A_164, %get3A_206, %dot_general3A_207 {dimension_numbers = #tpu.dot_dimension_numbers<[0], [0], [1], [1], [0, 1, 1, 1], [], []>, transpose_lhs_hint = false} : vector<4x2048xf32>, vector<4x64xf32>, vector<2048x64xf32> -> vector<2048x64xf32>
    %get3A_209 = arith.constant 0 : index
    %get3A_210 = arith.constant 0 : index
    %get3A_211 = vector.load %arg9[%get3A_209, %get3A_210] : memref<1x64xf32, #tpu.memory_space<vmem>>, vector<1x64xf32>
    %add3A_212 = vector.broadcast %get3A_211 : vector<1x64xf32> to vector<2048x64xf32>
    %add3A_213 = arith.addf %dot_general3A_208, %add3A_212 : vector<2048x64xf32>
    %max3A_214 = arith.constant 0.000000e+00 : f32
    %max3A_215 = vector.broadcast %max3A_214 : f32 to vector<2048x64xf32>
    %max3A_216 = arith.maximumf %add3A_213, %max3A_215 : vector<2048x64xf32>
    %get3A_217 = arith.constant 0 : index
    %get3A_218 = arith.constant 0 : index
    %get3A_219 = vector.load %arg10[%get3A_217, %get3A_218] : memref<64x128xf32, #tpu.memory_space<vmem>>, vector<64x128xf32>
    %dot_general3A_220 = arith.constant dense<0.000000e+00> : vector<2048x128xf32>
    %dot_general3A_221 = tpu.matmul %max3A_216, %get3A_219, %dot_general3A_220 {dimension_numbers = #tpu.dot_dimension_numbers<[1], [0], [0], [1], [0, 0, 1, 1], [], []>, transpose_lhs_hint = false} : vector<2048x64xf32>, vector<64x128xf32>, vector<2048x128xf32> -> vector<2048x128xf32>
    %get3A_222 = arith.constant 0 : index
    %get3A_223 = arith.constant 0 : index
    %get3A_224 = vector.load %arg11[%get3A_222, %get3A_223] : memref<1x128xf32, #tpu.memory_space<vmem>>, vector<1x128xf32>
    %add3A_225 = vector.broadcast %get3A_224 : vector<1x128xf32> to vector<2048x128xf32>
    %add3A_226 = arith.addf %dot_general3A_221, %add3A_225 : vector<2048x128xf32>
    %max3A_227 = arith.constant 0.000000e+00 : f32
    %max3A_228 = vector.broadcast %max3A_227 : f32 to vector<2048x128xf32>
    %max3A_229 = arith.maximumf %add3A_226, %max3A_228 : vector<2048x128xf32>
    %get3A_230 = arith.constant 0 : index
    %get3A_231 = arith.constant 0 : index
    %get3A_232 = vector.load %arg12[%get3A_230, %get3A_231] : memref<128x1024xf32, #tpu.memory_space<vmem>>, vector<128x1024xf32>
    %dot_general3A_233 = arith.constant dense<0.000000e+00> : vector<2048x1024xf32>
    %dot_general3A_234 = tpu.matmul %max3A_229, %get3A_232, %dot_general3A_233 {dimension_numbers = #tpu.dot_dimension_numbers<[1], [0], [0], [1], [0, 0, 1, 1], [], []>, transpose_lhs_hint = false} : vector<2048x128xf32>, vector<128x1024xf32>, vector<2048x1024xf32> -> vector<2048x1024xf32>
    %get3A_235 = arith.constant 0 : index
    %get3A_236 = arith.constant 0 : index
    %get3A_237 = vector.load %arg13[%get3A_235, %get3A_236] : memref<1x1024xf32, #tpu.memory_space<vmem>>, vector<1x1024xf32>
    %add3A_238 = vector.broadcast %get3A_237 : vector<1x1024xf32> to vector<2048x1024xf32>
    %add3A_239 = arith.addf %dot_general3A_234, %add3A_238 : vector<2048x1024xf32>
    %reduce_max3A_240 = arith.constant dense<0xFF800000> : vector<1024xf32>
    %reduce_max3A_241 = vector.multi_reduction <maximumf>, %add3A_239, %reduce_max3A_240 [0] : vector<2048x1024xf32> to vector<1024xf32>
    %broadcast_in_dim3A_242 = vector.shape_cast %reduce_max3A_241 : vector<1024xf32> to vector<1x1024xf32>
    %get3A_243 = arith.constant 3 : index
    %get3A_244 = arith.constant 0 : index
    %get3A_245 = arith.constant 0 : index
    %get3A_246 = vector.load %arg1[%get3A_243, %get3A_244, %get3A_245] : memref<8x4x2048xf32, #tpu.memory_space<vmem>>, vector<1x4x2048xf32>
    %get3A_247 = vector.shape_cast %get3A_246 : vector<1x4x2048xf32> to vector<4x2048xf32>
    %get3A_248 = arith.constant 0 : index
    %get3A_249 = arith.constant 0 : index
    %get3A_250 = vector.load %arg2[%get3A_248, %get3A_249] : memref<4x64xf32, #tpu.memory_space<vmem>>, vector<4x64xf32>
    %dot_general3A_251 = arith.constant dense<0.000000e+00> : vector<2048x64xf32>
    %dot_general3A_252 = tpu.matmul %get3A_247, %get3A_250, %dot_general3A_251 {dimension_numbers = #tpu.dot_dimension_numbers<[0], [0], [1], [1], [0, 1, 1, 1], [], []>, transpose_lhs_hint = false} : vector<4x2048xf32>, vector<4x64xf32>, vector<2048x64xf32> -> vector<2048x64xf32>
    %get3A_253 = arith.constant 0 : index
    %get3A_254 = arith.constant 0 : index
    %get3A_255 = vector.load %arg3[%get3A_253, %get3A_254] : memref<1x64xf32, #tpu.memory_space<vmem>>, vector<1x64xf32>
    %add3A_256 = vector.broadcast %get3A_255 : vector<1x64xf32> to vector<2048x64xf32>
    %add3A_257 = arith.addf %dot_general3A_252, %add3A_256 : vector<2048x64xf32>
    %max3A_258 = arith.constant 0.000000e+00 : f32
    %max3A_259 = vector.broadcast %max3A_258 : f32 to vector<2048x64xf32>
    %max3A_260 = arith.maximumf %add3A_257, %max3A_259 : vector<2048x64xf32>
    %get3A_261 = arith.constant 0 : index
    %get3A_262 = arith.constant 0 : index
    %get3A_263 = vector.load %arg4[%get3A_261, %get3A_262] : memref<64x128xf32, #tpu.memory_space<vmem>>, vector<64x128xf32>
    %dot_general3A_264 = arith.constant dense<0.000000e+00> : vector<2048x128xf32>
    %dot_general3A_265 = tpu.matmul %max3A_260, %get3A_263, %dot_general3A_264 {dimension_numbers = #tpu.dot_dimension_numbers<[1], [0], [0], [1], [0, 0, 1, 1], [], []>, transpose_lhs_hint = false} : vector<2048x64xf32>, vector<64x128xf32>, vector<2048x128xf32> -> vector<2048x128xf32>
    %get3A_266 = arith.constant 0 : index
    %get3A_267 = arith.constant 0 : index
    %get3A_268 = vector.load %arg5[%get3A_266, %get3A_267] : memref<1x128xf32, #tpu.memory_space<vmem>>, vector<1x128xf32>
    %add3A_269 = vector.broadcast %get3A_268 : vector<1x128xf32> to vector<2048x128xf32>
    %add3A_270 = arith.addf %dot_general3A_265, %add3A_269 : vector<2048x128xf32>
    %max3A_271 = arith.constant 0.000000e+00 : f32
    %max3A_272 = vector.broadcast %max3A_271 : f32 to vector<2048x128xf32>
    %max3A_273 = arith.maximumf %add3A_270, %max3A_272 : vector<2048x128xf32>
    %get3A_274 = arith.constant 0 : index
    %get3A_275 = arith.constant 0 : index
    %get3A_276 = vector.load %arg6[%get3A_274, %get3A_275] : memref<128x1024xf32, #tpu.memory_space<vmem>>, vector<128x1024xf32>
    %dot_general3A_277 = arith.constant dense<0.000000e+00> : vector<2048x1024xf32>
    %dot_general3A_278 = tpu.matmul %max3A_273, %get3A_276, %dot_general3A_277 {dimension_numbers = #tpu.dot_dimension_numbers<[1], [0], [0], [1], [0, 0, 1, 1], [], []>, transpose_lhs_hint = false} : vector<2048x128xf32>, vector<128x1024xf32>, vector<2048x1024xf32> -> vector<2048x1024xf32>
    %get3A_279 = arith.constant 0 : index
    %get3A_280 = arith.constant 0 : index
    %get3A_281 = vector.load %arg7[%get3A_279, %get3A_280] : memref<1x1024xf32, #tpu.memory_space<vmem>>, vector<1x1024xf32>
    %add3A_282 = vector.broadcast %get3A_281 : vector<1x1024xf32> to vector<2048x1024xf32>
    %add3A_283 = arith.addf %dot_general3A_278, %add3A_282 : vector<2048x1024xf32>
    %reduce_max3A_284 = arith.constant dense<0xFF800000> : vector<1024xf32>
    %reduce_max3A_285 = vector.multi_reduction <maximumf>, %add3A_283, %reduce_max3A_284 [0] : vector<2048x1024xf32> to vector<1024xf32>
    %broadcast_in_dim3A_286 = vector.shape_cast %reduce_max3A_285 : vector<1024xf32> to vector<1x1024xf32>
    %get3A_287 = arith.constant 0 : index
    %get3A_288 = arith.constant 0 : index
    %get3A_289 = vector.load %arg8[%get3A_287, %get3A_288] : memref<4x64xf32, #tpu.memory_space<vmem>>, vector<4x64xf32>
    %dot_general3A_290 = arith.constant dense<0.000000e+00> : vector<2048x64xf32>
    %dot_general3A_291 = tpu.matmul %get3A_247, %get3A_289, %dot_general3A_290 {dimension_numbers = #tpu.dot_dimension_numbers<[0], [0], [1], [1], [0, 1, 1, 1], [], []>, transpose_lhs_hint = false} : vector<4x2048xf32>, vector<4x64xf32>, vector<2048x64xf32> -> vector<2048x64xf32>
    %get3A_292 = arith.constant 0 : index
    %get3A_293 = arith.constant 0 : index
    %get3A_294 = vector.load %arg9[%get3A_292, %get3A_293] : memref<1x64xf32, #tpu.memory_space<vmem>>, vector<1x64xf32>
    %add3A_295 = vector.broadcast %get3A_294 : vector<1x64xf32> to vector<2048x64xf32>
    %add3A_296 = arith.addf %dot_general3A_291, %add3A_295 : vector<2048x64xf32>
    %max3A_297 = arith.constant 0.000000e+00 : f32
    %max3A_298 = vector.broadcast %max3A_297 : f32 to vector<2048x64xf32>
    %max3A_299 = arith.maximumf %add3A_296, %max3A_298 : vector<2048x64xf32>
    %get3A_300 = arith.constant 0 : index
    %get3A_301 = arith.constant 0 : index
    %get3A_302 = vector.load %arg10[%get3A_300, %get3A_301] : memref<64x128xf32, #tpu.memory_space<vmem>>, vector<64x128xf32>
    %dot_general3A_303 = arith.constant dense<0.000000e+00> : vector<2048x128xf32>
    %dot_general3A_304 = tpu.matmul %max3A_299, %get3A_302, %dot_general3A_303 {dimension_numbers = #tpu.dot_dimension_numbers<[1], [0], [0], [1], [0, 0, 1, 1], [], []>, transpose_lhs_hint = false} : vector<2048x64xf32>, vector<64x128xf32>, vector<2048x128xf32> -> vector<2048x128xf32>
    %get3A_305 = arith.constant 0 : index
    %get3A_306 = arith.constant 0 : index
    %get3A_307 = vector.load %arg11[%get3A_305, %get3A_306] : memref<1x128xf32, #tpu.memory_space<vmem>>, vector<1x128xf32>
    %add3A_308 = vector.broadcast %get3A_307 : vector<1x128xf32> to vector<2048x128xf32>
    %add3A_309 = arith.addf %dot_general3A_304, %add3A_308 : vector<2048x128xf32>
    %max3A_310 = arith.constant 0.000000e+00 : f32
    %max3A_311 = vector.broadcast %max3A_310 : f32 to vector<2048x128xf32>
    %max3A_312 = arith.maximumf %add3A_309, %max3A_311 : vector<2048x128xf32>
    %get3A_313 = arith.constant 0 : index
    %get3A_314 = arith.constant 0 : index
    %get3A_315 = vector.load %arg12[%get3A_313, %get3A_314] : memref<128x1024xf32, #tpu.memory_space<vmem>>, vector<128x1024xf32>
    %dot_general3A_316 = arith.constant dense<0.000000e+00> : vector<2048x1024xf32>
    %dot_general3A_317 = tpu.matmul %max3A_312, %get3A_315, %dot_general3A_316 {dimension_numbers = #tpu.dot_dimension_numbers<[1], [0], [0], [1], [0, 0, 1, 1], [], []>, transpose_lhs_hint = false} : vector<2048x128xf32>, vector<128x1024xf32>, vector<2048x1024xf32> -> vector<2048x1024xf32>
    %get3A_318 = arith.constant 0 : index
    %get3A_319 = arith.constant 0 : index
    %get3A_320 = vector.load %arg13[%get3A_318, %get3A_319] : memref<1x1024xf32, #tpu.memory_space<vmem>>, vector<1x1024xf32>
    %add3A_321 = vector.broadcast %get3A_320 : vector<1x1024xf32> to vector<2048x1024xf32>
    %add3A_322 = arith.addf %dot_general3A_317, %add3A_321 : vector<2048x1024xf32>
    %reduce_max3A_323 = arith.constant dense<0xFF800000> : vector<1024xf32>
    %reduce_max3A_324 = vector.multi_reduction <maximumf>, %add3A_322, %reduce_max3A_323 [0] : vector<2048x1024xf32> to vector<1024xf32>
    %broadcast_in_dim3A_325 = vector.shape_cast %reduce_max3A_324 : vector<1024xf32> to vector<1x1024xf32>
    %get3A_326 = arith.constant 4 : index
    %get3A_327 = arith.constant 0 : index
    %get3A_328 = arith.constant 0 : index
    %get3A_329 = vector.load %arg1[%get3A_326, %get3A_327, %get3A_328] : memref<8x4x2048xf32, #tpu.memory_space<vmem>>, vector<1x4x2048xf32>
    %get3A_330 = vector.shape_cast %get3A_329 : vector<1x4x2048xf32> to vector<4x2048xf32>
    %get3A_331 = arith.constant 0 : index
    %get3A_332 = arith.constant 0 : index
    %get3A_333 = vector.load %arg2[%get3A_331, %get3A_332] : memref<4x64xf32, #tpu.memory_space<vmem>>, vector<4x64xf32>
    %dot_general3A_334 = arith.constant dense<0.000000e+00> : vector<2048x64xf32>
    %dot_general3A_335 = tpu.matmul %get3A_330, %get3A_333, %dot_general3A_334 {dimension_numbers = #tpu.dot_dimension_numbers<[0], [0], [1], [1], [0, 1, 1, 1], [], []>, transpose_lhs_hint = false} : vector<4x2048xf32>, vector<4x64xf32>, vector<2048x64xf32> -> vector<2048x64xf32>
    %get3A_336 = arith.constant 0 : index
    %get3A_337 = arith.constant 0 : index
    %get3A_338 = vector.load %arg3[%get3A_336, %get3A_337] : memref<1x64xf32, #tpu.memory_space<vmem>>, vector<1x64xf32>
    %add3A_339 = vector.broadcast %get3A_338 : vector<1x64xf32> to vector<2048x64xf32>
    %add3A_340 = arith.addf %dot_general3A_335, %add3A_339 : vector<2048x64xf32>
    %max3A_341 = arith.constant 0.000000e+00 : f32
    %max3A_342 = vector.broadcast %max3A_341 : f32 to vector<2048x64xf32>
    %max3A_343 = arith.maximumf %add3A_340, %max3A_342 : vector<2048x64xf32>
    %get3A_344 = arith.constant 0 : index
    %get3A_345 = arith.constant 0 : index
    %get3A_346 = vector.load %arg4[%get3A_344, %get3A_345] : memref<64x128xf32, #tpu.memory_space<vmem>>, vector<64x128xf32>
    %dot_general3A_347 = arith.constant dense<0.000000e+00> : vector<2048x128xf32>
    %dot_general3A_348 = tpu.matmul %max3A_343, %get3A_346, %dot_general3A_347 {dimension_numbers = #tpu.dot_dimension_numbers<[1], [0], [0], [1], [0, 0, 1, 1], [], []>, transpose_lhs_hint = false} : vector<2048x64xf32>, vector<64x128xf32>, vector<2048x128xf32> -> vector<2048x128xf32>
    %get3A_349 = arith.constant 0 : index
    %get3A_350 = arith.constant 0 : index
    %get3A_351 = vector.load %arg5[%get3A_349, %get3A_350] : memref<1x128xf32, #tpu.memory_space<vmem>>, vector<1x128xf32>
    %add3A_352 = vector.broadcast %get3A_351 : vector<1x128xf32> to vector<2048x128xf32>
    %add3A_353 = arith.addf %dot_general3A_348, %add3A_352 : vector<2048x128xf32>
    %max3A_354 = arith.constant 0.000000e+00 : f32
    %max3A_355 = vector.broadcast %max3A_354 : f32 to vector<2048x128xf32>
    %max3A_356 = arith.maximumf %add3A_353, %max3A_355 : vector<2048x128xf32>
    %get3A_357 = arith.constant 0 : index
    %get3A_358 = arith.constant 0 : index
    %get3A_359 = vector.load %arg6[%get3A_357, %get3A_358] : memref<128x1024xf32, #tpu.memory_space<vmem>>, vector<128x1024xf32>
    %dot_general3A_360 = arith.constant dense<0.000000e+00> : vector<2048x1024xf32>
    %dot_general3A_361 = tpu.matmul %max3A_356, %get3A_359, %dot_general3A_360 {dimension_numbers = #tpu.dot_dimension_numbers<[1], [0], [0], [1], [0, 0, 1, 1], [], []>, transpose_lhs_hint = false} : vector<2048x128xf32>, vector<128x1024xf32>, vector<2048x1024xf32> -> vector<2048x1024xf32>
    %get3A_362 = arith.constant 0 : index
    %get3A_363 = arith.constant 0 : index
    %get3A_364 = vector.load %arg7[%get3A_362, %get3A_363] : memref<1x1024xf32, #tpu.memory_space<vmem>>, vector<1x1024xf32>
    %add3A_365 = vector.broadcast %get3A_364 : vector<1x1024xf32> to vector<2048x1024xf32>
    %add3A_366 = arith.addf %dot_general3A_361, %add3A_365 : vector<2048x1024xf32>
    %reduce_max3A_367 = arith.constant dense<0xFF800000> : vector<1024xf32>
    %reduce_max3A_368 = vector.multi_reduction <maximumf>, %add3A_366, %reduce_max3A_367 [0] : vector<2048x1024xf32> to vector<1024xf32>
    %broadcast_in_dim3A_369 = vector.shape_cast %reduce_max3A_368 : vector<1024xf32> to vector<1x1024xf32>
    %get3A_370 = arith.constant 0 : index
    %get3A_371 = arith.constant 0 : index
    %get3A_372 = vector.load %arg8[%get3A_370, %get3A_371] : memref<4x64xf32, #tpu.memory_space<vmem>>, vector<4x64xf32>
    %dot_general3A_373 = arith.constant dense<0.000000e+00> : vector<2048x64xf32>
    %dot_general3A_374 = tpu.matmul %get3A_330, %get3A_372, %dot_general3A_373 {dimension_numbers = #tpu.dot_dimension_numbers<[0], [0], [1], [1], [0, 1, 1, 1], [], []>, transpose_lhs_hint = false} : vector<4x2048xf32>, vector<4x64xf32>, vector<2048x64xf32> -> vector<2048x64xf32>
    %get3A_375 = arith.constant 0 : index
    %get3A_376 = arith.constant 0 : index
    %get3A_377 = vector.load %arg9[%get3A_375, %get3A_376] : memref<1x64xf32, #tpu.memory_space<vmem>>, vector<1x64xf32>
    %add3A_378 = vector.broadcast %get3A_377 : vector<1x64xf32> to vector<2048x64xf32>
    %add3A_379 = arith.addf %dot_general3A_374, %add3A_378 : vector<2048x64xf32>
    %max3A_380 = arith.constant 0.000000e+00 : f32
    %max3A_381 = vector.broadcast %max3A_380 : f32 to vector<2048x64xf32>
    %max3A_382 = arith.maximumf %add3A_379, %max3A_381 : vector<2048x64xf32>
    %get3A_383 = arith.constant 0 : index
    %get3A_384 = arith.constant 0 : index
    %get3A_385 = vector.load %arg10[%get3A_383, %get3A_384] : memref<64x128xf32, #tpu.memory_space<vmem>>, vector<64x128xf32>
    %dot_general3A_386 = arith.constant dense<0.000000e+00> : vector<2048x128xf32>
    %dot_general3A_387 = tpu.matmul %max3A_382, %get3A_385, %dot_general3A_386 {dimension_numbers = #tpu.dot_dimension_numbers<[1], [0], [0], [1], [0, 0, 1, 1], [], []>, transpose_lhs_hint = false} : vector<2048x64xf32>, vector<64x128xf32>, vector<2048x128xf32> -> vector<2048x128xf32>
    %get3A_388 = arith.constant 0 : index
    %get3A_389 = arith.constant 0 : index
    %get3A_390 = vector.load %arg11[%get3A_388, %get3A_389] : memref<1x128xf32, #tpu.memory_space<vmem>>, vector<1x128xf32>
    %add3A_391 = vector.broadcast %get3A_390 : vector<1x128xf32> to vector<2048x128xf32>
    %add3A_392 = arith.addf %dot_general3A_387, %add3A_391 : vector<2048x128xf32>
    %max3A_393 = arith.constant 0.000000e+00 : f32
    %max3A_394 = vector.broadcast %max3A_393 : f32 to vector<2048x128xf32>
    %max3A_395 = arith.maximumf %add3A_392, %max3A_394 : vector<2048x128xf32>
    %get3A_396 = arith.constant 0 : index
    %get3A_397 = arith.constant 0 : index
    %get3A_398 = vector.load %arg12[%get3A_396, %get3A_397] : memref<128x1024xf32, #tpu.memory_space<vmem>>, vector<128x1024xf32>
    %dot_general3A_399 = arith.constant dense<0.000000e+00> : vector<2048x1024xf32>
    %dot_general3A_400 = tpu.matmul %max3A_395, %get3A_398, %dot_general3A_399 {dimension_numbers = #tpu.dot_dimension_numbers<[1], [0], [0], [1], [0, 0, 1, 1], [], []>, transpose_lhs_hint = false} : vector<2048x128xf32>, vector<128x1024xf32>, vector<2048x1024xf32> -> vector<2048x1024xf32>
    %get3A_401 = arith.constant 0 : index
    %get3A_402 = arith.constant 0 : index
    %get3A_403 = vector.load %arg13[%get3A_401, %get3A_402] : memref<1x1024xf32, #tpu.memory_space<vmem>>, vector<1x1024xf32>
    %add3A_404 = vector.broadcast %get3A_403 : vector<1x1024xf32> to vector<2048x1024xf32>
    %add3A_405 = arith.addf %dot_general3A_400, %add3A_404 : vector<2048x1024xf32>
    %reduce_max3A_406 = arith.constant dense<0xFF800000> : vector<1024xf32>
    %reduce_max3A_407 = vector.multi_reduction <maximumf>, %add3A_405, %reduce_max3A_406 [0] : vector<2048x1024xf32> to vector<1024xf32>
    %broadcast_in_dim3A_408 = vector.shape_cast %reduce_max3A_407 : vector<1024xf32> to vector<1x1024xf32>
    %get3A_409 = arith.constant 5 : index
    %get3A_410 = arith.constant 0 : index
    %get3A_411 = arith.constant 0 : index
    %get3A_412 = vector.load %arg1[%get3A_409, %get3A_410, %get3A_411] : memref<8x4x2048xf32, #tpu.memory_space<vmem>>, vector<1x4x2048xf32>
    %get3A_413 = vector.shape_cast %get3A_412 : vector<1x4x2048xf32> to vector<4x2048xf32>
    %get3A_414 = arith.constant 0 : index
    %get3A_415 = arith.constant 0 : index
    %get3A_416 = vector.load %arg2[%get3A_414, %get3A_415] : memref<4x64xf32, #tpu.memory_space<vmem>>, vector<4x64xf32>
    %dot_general3A_417 = arith.constant dense<0.000000e+00> : vector<2048x64xf32>
    %dot_general3A_418 = tpu.matmul %get3A_413, %get3A_416, %dot_general3A_417 {dimension_numbers = #tpu.dot_dimension_numbers<[0], [0], [1], [1], [0, 1, 1, 1], [], []>, transpose_lhs_hint = false} : vector<4x2048xf32>, vector<4x64xf32>, vector<2048x64xf32> -> vector<2048x64xf32>
    %get3A_419 = arith.constant 0 : index
    %get3A_420 = arith.constant 0 : index
    %get3A_421 = vector.load %arg3[%get3A_419, %get3A_420] : memref<1x64xf32, #tpu.memory_space<vmem>>, vector<1x64xf32>
    %add3A_422 = vector.broadcast %get3A_421 : vector<1x64xf32> to vector<2048x64xf32>
    %add3A_423 = arith.addf %dot_general3A_418, %add3A_422 : vector<2048x64xf32>
    %max3A_424 = arith.constant 0.000000e+00 : f32
    %max3A_425 = vector.broadcast %max3A_424 : f32 to vector<2048x64xf32>
    %max3A_426 = arith.maximumf %add3A_423, %max3A_425 : vector<2048x64xf32>
    %get3A_427 = arith.constant 0 : index
    %get3A_428 = arith.constant 0 : index
    %get3A_429 = vector.load %arg4[%get3A_427, %get3A_428] : memref<64x128xf32, #tpu.memory_space<vmem>>, vector<64x128xf32>
    %dot_general3A_430 = arith.constant dense<0.000000e+00> : vector<2048x128xf32>
    %dot_general3A_431 = tpu.matmul %max3A_426, %get3A_429, %dot_general3A_430 {dimension_numbers = #tpu.dot_dimension_numbers<[1], [0], [0], [1], [0, 0, 1, 1], [], []>, transpose_lhs_hint = false} : vector<2048x64xf32>, vector<64x128xf32>, vector<2048x128xf32> -> vector<2048x128xf32>
    %get3A_432 = arith.constant 0 : index
    %get3A_433 = arith.constant 0 : index
    %get3A_434 = vector.load %arg5[%get3A_432, %get3A_433] : memref<1x128xf32, #tpu.memory_space<vmem>>, vector<1x128xf32>
    %add3A_435 = vector.broadcast %get3A_434 : vector<1x128xf32> to vector<2048x128xf32>
    %add3A_436 = arith.addf %dot_general3A_431, %add3A_435 : vector<2048x128xf32>
    %max3A_437 = arith.constant 0.000000e+00 : f32
    %max3A_438 = vector.broadcast %max3A_437 : f32 to vector<2048x128xf32>
    %max3A_439 = arith.maximumf %add3A_436, %max3A_438 : vector<2048x128xf32>
    %get3A_440 = arith.constant 0 : index
    %get3A_441 = arith.constant 0 : index
    %get3A_442 = vector.load %arg6[%get3A_440, %get3A_441] : memref<128x1024xf32, #tpu.memory_space<vmem>>, vector<128x1024xf32>
    %dot_general3A_443 = arith.constant dense<0.000000e+00> : vector<2048x1024xf32>
    %dot_general3A_444 = tpu.matmul %max3A_439, %get3A_442, %dot_general3A_443 {dimension_numbers = #tpu.dot_dimension_numbers<[1], [0], [0], [1], [0, 0, 1, 1], [], []>, transpose_lhs_hint = false} : vector<2048x128xf32>, vector<128x1024xf32>, vector<2048x1024xf32> -> vector<2048x1024xf32>
    %get3A_445 = arith.constant 0 : index
    %get3A_446 = arith.constant 0 : index
    %get3A_447 = vector.load %arg7[%get3A_445, %get3A_446] : memref<1x1024xf32, #tpu.memory_space<vmem>>, vector<1x1024xf32>
    %add3A_448 = vector.broadcast %get3A_447 : vector<1x1024xf32> to vector<2048x1024xf32>
    %add3A_449 = arith.addf %dot_general3A_444, %add3A_448 : vector<2048x1024xf32>
    %reduce_max3A_450 = arith.constant dense<0xFF800000> : vector<1024xf32>
    %reduce_max3A_451 = vector.multi_reduction <maximumf>, %add3A_449, %reduce_max3A_450 [0] : vector<2048x1024xf32> to vector<1024xf32>
    %broadcast_in_dim3A_452 = vector.shape_cast %reduce_max3A_451 : vector<1024xf32> to vector<1x1024xf32>
    %get3A_453 = arith.constant 0 : index
    %get3A_454 = arith.constant 0 : index
    %get3A_455 = vector.load %arg8[%get3A_453, %get3A_454] : memref<4x64xf32, #tpu.memory_space<vmem>>, vector<4x64xf32>
    %dot_general3A_456 = arith.constant dense<0.000000e+00> : vector<2048x64xf32>
    %dot_general3A_457 = tpu.matmul %get3A_413, %get3A_455, %dot_general3A_456 {dimension_numbers = #tpu.dot_dimension_numbers<[0], [0], [1], [1], [0, 1, 1, 1], [], []>, transpose_lhs_hint = false} : vector<4x2048xf32>, vector<4x64xf32>, vector<2048x64xf32> -> vector<2048x64xf32>
    %get3A_458 = arith.constant 0 : index
    %get3A_459 = arith.constant 0 : index
    %get3A_460 = vector.load %arg9[%get3A_458, %get3A_459] : memref<1x64xf32, #tpu.memory_space<vmem>>, vector<1x64xf32>
    %add3A_461 = vector.broadcast %get3A_460 : vector<1x64xf32> to vector<2048x64xf32>
    %add3A_462 = arith.addf %dot_general3A_457, %add3A_461 : vector<2048x64xf32>
    %max3A_463 = arith.constant 0.000000e+00 : f32
    %max3A_464 = vector.broadcast %max3A_463 : f32 to vector<2048x64xf32>
    %max3A_465 = arith.maximumf %add3A_462, %max3A_464 : vector<2048x64xf32>
    %get3A_466 = arith.constant 0 : index
    %get3A_467 = arith.constant 0 : index
    %get3A_468 = vector.load %arg10[%get3A_466, %get3A_467] : memref<64x128xf32, #tpu.memory_space<vmem>>, vector<64x128xf32>
    %dot_general3A_469 = arith.constant dense<0.000000e+00> : vector<2048x128xf32>
    %dot_general3A_470 = tpu.matmul %max3A_465, %get3A_468, %dot_general3A_469 {dimension_numbers = #tpu.dot_dimension_numbers<[1], [0], [0], [1], [0, 0, 1, 1], [], []>, transpose_lhs_hint = false} : vector<2048x64xf32>, vector<64x128xf32>, vector<2048x128xf32> -> vector<2048x128xf32>
    %get3A_471 = arith.constant 0 : index
    %get3A_472 = arith.constant 0 : index
    %get3A_473 = vector.load %arg11[%get3A_471, %get3A_472] : memref<1x128xf32, #tpu.memory_space<vmem>>, vector<1x128xf32>
    %add3A_474 = vector.broadcast %get3A_473 : vector<1x128xf32> to vector<2048x128xf32>
    %add3A_475 = arith.addf %dot_general3A_470, %add3A_474 : vector<2048x128xf32>
    %max3A_476 = arith.constant 0.000000e+00 : f32
    %max3A_477 = vector.broadcast %max3A_476 : f32 to vector<2048x128xf32>
    %max3A_478 = arith.maximumf %add3A_475, %max3A_477 : vector<2048x128xf32>
    %get3A_479 = arith.constant 0 : index
    %get3A_480 = arith.constant 0 : index
    %get3A_481 = vector.load %arg12[%get3A_479, %get3A_480] : memref<128x1024xf32, #tpu.memory_space<vmem>>, vector<128x1024xf32>
    %dot_general3A_482 = arith.constant dense<0.000000e+00> : vector<2048x1024xf32>
    %dot_general3A_483 = tpu.matmul %max3A_478, %get3A_481, %dot_general3A_482 {dimension_numbers = #tpu.dot_dimension_numbers<[1], [0], [0], [1], [0, 0, 1, 1], [], []>, transpose_lhs_hint = false} : vector<2048x128xf32>, vector<128x1024xf32>, vector<2048x1024xf32> -> vector<2048x1024xf32>
    %get3A_484 = arith.constant 0 : index
    %get3A_485 = arith.constant 0 : index
    %get3A_486 = vector.load %arg13[%get3A_484, %get3A_485] : memref<1x1024xf32, #tpu.memory_space<vmem>>, vector<1x1024xf32>
    %add3A_487 = vector.broadcast %get3A_486 : vector<1x1024xf32> to vector<2048x1024xf32>
    %add3A_488 = arith.addf %dot_general3A_483, %add3A_487 : vector<2048x1024xf32>
    %reduce_max3A_489 = arith.constant dense<0xFF800000> : vector<1024xf32>
    %reduce_max3A_490 = vector.multi_reduction <maximumf>, %add3A_488, %reduce_max3A_489 [0] : vector<2048x1024xf32> to vector<1024xf32>
    %broadcast_in_dim3A_491 = vector.shape_cast %reduce_max3A_490 : vector<1024xf32> to vector<1x1024xf32>
    %get3A_492 = arith.constant 6 : index
    %get3A_493 = arith.constant 0 : index
    %get3A_494 = arith.constant 0 : index
    %get3A_495 = vector.load %arg1[%get3A_492, %get3A_493, %get3A_494] : memref<8x4x2048xf32, #tpu.memory_space<vmem>>, vector<1x4x2048xf32>
    %get3A_496 = vector.shape_cast %get3A_495 : vector<1x4x2048xf32> to vector<4x2048xf32>
    %get3A_497 = arith.constant 0 : index
    %get3A_498 = arith.constant 0 : index
    %get3A_499 = vector.load %arg2[%get3A_497, %get3A_498] : memref<4x64xf32, #tpu.memory_space<vmem>>, vector<4x64xf32>
    %dot_general3A_500 = arith.constant dense<0.000000e+00> : vector<2048x64xf32>
    %dot_general3A_501 = tpu.matmul %get3A_496, %get3A_499, %dot_general3A_500 {dimension_numbers = #tpu.dot_dimension_numbers<[0], [0], [1], [1], [0, 1, 1, 1], [], []>, transpose_lhs_hint = false} : vector<4x2048xf32>, vector<4x64xf32>, vector<2048x64xf32> -> vector<2048x64xf32>
    %get3A_502 = arith.constant 0 : index
    %get3A_503 = arith.constant 0 : index
    %get3A_504 = vector.load %arg3[%get3A_502, %get3A_503] : memref<1x64xf32, #tpu.memory_space<vmem>>, vector<1x64xf32>
    %add3A_505 = vector.broadcast %get3A_504 : vector<1x64xf32> to vector<2048x64xf32>
    %add3A_506 = arith.addf %dot_general3A_501, %add3A_505 : vector<2048x64xf32>
    %max3A_507 = arith.constant 0.000000e+00 : f32
    %max3A_508 = vector.broadcast %max3A_507 : f32 to vector<2048x64xf32>
    %max3A_509 = arith.maximumf %add3A_506, %max3A_508 : vector<2048x64xf32>
    %get3A_510 = arith.constant 0 : index
    %get3A_511 = arith.constant 0 : index
    %get3A_512 = vector.load %arg4[%get3A_510, %get3A_511] : memref<64x128xf32, #tpu.memory_space<vmem>>, vector<64x128xf32>
    %dot_general3A_513 = arith.constant dense<0.000000e+00> : vector<2048x128xf32>
    %dot_general3A_514 = tpu.matmul %max3A_509, %get3A_512, %dot_general3A_513 {dimension_numbers = #tpu.dot_dimension_numbers<[1], [0], [0], [1], [0, 0, 1, 1], [], []>, transpose_lhs_hint = false} : vector<2048x64xf32>, vector<64x128xf32>, vector<2048x128xf32> -> vector<2048x128xf32>
    %get3A_515 = arith.constant 0 : index
    %get3A_516 = arith.constant 0 : index
    %get3A_517 = vector.load %arg5[%get3A_515, %get3A_516] : memref<1x128xf32, #tpu.memory_space<vmem>>, vector<1x128xf32>
    %add3A_518 = vector.broadcast %get3A_517 : vector<1x128xf32> to vector<2048x128xf32>
    %add3A_519 = arith.addf %dot_general3A_514, %add3A_518 : vector<2048x128xf32>
    %max3A_520 = arith.constant 0.000000e+00 : f32
    %max3A_521 = vector.broadcast %max3A_520 : f32 to vector<2048x128xf32>
    %max3A_522 = arith.maximumf %add3A_519, %max3A_521 : vector<2048x128xf32>
    %get3A_523 = arith.constant 0 : index
    %get3A_524 = arith.constant 0 : index
    %get3A_525 = vector.load %arg6[%get3A_523, %get3A_524] : memref<128x1024xf32, #tpu.memory_space<vmem>>, vector<128x1024xf32>
    %dot_general3A_526 = arith.constant dense<0.000000e+00> : vector<2048x1024xf32>
    %dot_general3A_527 = tpu.matmul %max3A_522, %get3A_525, %dot_general3A_526 {dimension_numbers = #tpu.dot_dimension_numbers<[1], [0], [0], [1], [0, 0, 1, 1], [], []>, transpose_lhs_hint = false} : vector<2048x128xf32>, vector<128x1024xf32>, vector<2048x1024xf32> -> vector<2048x1024xf32>
    %get3A_528 = arith.constant 0 : index
    %get3A_529 = arith.constant 0 : index
    %get3A_530 = vector.load %arg7[%get3A_528, %get3A_529] : memref<1x1024xf32, #tpu.memory_space<vmem>>, vector<1x1024xf32>
    %add3A_531 = vector.broadcast %get3A_530 : vector<1x1024xf32> to vector<2048x1024xf32>
    %add3A_532 = arith.addf %dot_general3A_527, %add3A_531 : vector<2048x1024xf32>
    %reduce_max3A_533 = arith.constant dense<0xFF800000> : vector<1024xf32>
    %reduce_max3A_534 = vector.multi_reduction <maximumf>, %add3A_532, %reduce_max3A_533 [0] : vector<2048x1024xf32> to vector<1024xf32>
    %broadcast_in_dim3A_535 = vector.shape_cast %reduce_max3A_534 : vector<1024xf32> to vector<1x1024xf32>
    %get3A_536 = arith.constant 0 : index
    %get3A_537 = arith.constant 0 : index
    %get3A_538 = vector.load %arg8[%get3A_536, %get3A_537] : memref<4x64xf32, #tpu.memory_space<vmem>>, vector<4x64xf32>
    %dot_general3A_539 = arith.constant dense<0.000000e+00> : vector<2048x64xf32>
    %dot_general3A_540 = tpu.matmul %get3A_496, %get3A_538, %dot_general3A_539 {dimension_numbers = #tpu.dot_dimension_numbers<[0], [0], [1], [1], [0, 1, 1, 1], [], []>, transpose_lhs_hint = false} : vector<4x2048xf32>, vector<4x64xf32>, vector<2048x64xf32> -> vector<2048x64xf32>
    %get3A_541 = arith.constant 0 : index
    %get3A_542 = arith.constant 0 : index
    %get3A_543 = vector.load %arg9[%get3A_541, %get3A_542] : memref<1x64xf32, #tpu.memory_space<vmem>>, vector<1x64xf32>
    %add3A_544 = vector.broadcast %get3A_543 : vector<1x64xf32> to vector<2048x64xf32>
    %add3A_545 = arith.addf %dot_general3A_540, %add3A_544 : vector<2048x64xf32>
    %max3A_546 = arith.constant 0.000000e+00 : f32
    %max3A_547 = vector.broadcast %max3A_546 : f32 to vector<2048x64xf32>
    %max3A_548 = arith.maximumf %add3A_545, %max3A_547 : vector<2048x64xf32>
    %get3A_549 = arith.constant 0 : index
    %get3A_550 = arith.constant 0 : index
    %get3A_551 = vector.load %arg10[%get3A_549, %get3A_550] : memref<64x128xf32, #tpu.memory_space<vmem>>, vector<64x128xf32>
    %dot_general3A_552 = arith.constant dense<0.000000e+00> : vector<2048x128xf32>
    %dot_general3A_553 = tpu.matmul %max3A_548, %get3A_551, %dot_general3A_552 {dimension_numbers = #tpu.dot_dimension_numbers<[1], [0], [0], [1], [0, 0, 1, 1], [], []>, transpose_lhs_hint = false} : vector<2048x64xf32>, vector<64x128xf32>, vector<2048x128xf32> -> vector<2048x128xf32>
    %get3A_554 = arith.constant 0 : index
    %get3A_555 = arith.constant 0 : index
    %get3A_556 = vector.load %arg11[%get3A_554, %get3A_555] : memref<1x128xf32, #tpu.memory_space<vmem>>, vector<1x128xf32>
    %add3A_557 = vector.broadcast %get3A_556 : vector<1x128xf32> to vector<2048x128xf32>
    %add3A_558 = arith.addf %dot_general3A_553, %add3A_557 : vector<2048x128xf32>
    %max3A_559 = arith.constant 0.000000e+00 : f32
    %max3A_560 = vector.broadcast %max3A_559 : f32 to vector<2048x128xf32>
    %max3A_561 = arith.maximumf %add3A_558, %max3A_560 : vector<2048x128xf32>
    %get3A_562 = arith.constant 0 : index
    %get3A_563 = arith.constant 0 : index
    %get3A_564 = vector.load %arg12[%get3A_562, %get3A_563] : memref<128x1024xf32, #tpu.memory_space<vmem>>, vector<128x1024xf32>
    %dot_general3A_565 = arith.constant dense<0.000000e+00> : vector<2048x1024xf32>
    %dot_general3A_566 = tpu.matmul %max3A_561, %get3A_564, %dot_general3A_565 {dimension_numbers = #tpu.dot_dimension_numbers<[1], [0], [0], [1], [0, 0, 1, 1], [], []>, transpose_lhs_hint = false} : vector<2048x128xf32>, vector<128x1024xf32>, vector<2048x1024xf32> -> vector<2048x1024xf32>
    %get3A_567 = arith.constant 0 : index
    %get3A_568 = arith.constant 0 : index
    %get3A_569 = vector.load %arg13[%get3A_567, %get3A_568] : memref<1x1024xf32, #tpu.memory_space<vmem>>, vector<1x1024xf32>
    %add3A_570 = vector.broadcast %get3A_569 : vector<1x1024xf32> to vector<2048x1024xf32>
    %add3A_571 = arith.addf %dot_general3A_566, %add3A_570 : vector<2048x1024xf32>
    %reduce_max3A_572 = arith.constant dense<0xFF800000> : vector<1024xf32>
    %reduce_max3A_573 = vector.multi_reduction <maximumf>, %add3A_571, %reduce_max3A_572 [0] : vector<2048x1024xf32> to vector<1024xf32>
    %broadcast_in_dim3A_574 = vector.shape_cast %reduce_max3A_573 : vector<1024xf32> to vector<1x1024xf32>
    %get3A_575 = arith.constant 7 : index
    %get3A_576 = arith.constant 0 : index
    %get3A_577 = arith.constant 0 : index
    %get3A_578 = vector.load %arg1[%get3A_575, %get3A_576, %get3A_577] : memref<8x4x2048xf32, #tpu.memory_space<vmem>>, vector<1x4x2048xf32>
    %get3A_579 = vector.shape_cast %get3A_578 : vector<1x4x2048xf32> to vector<4x2048xf32>
    %get3A_580 = arith.constant 0 : index
    %get3A_581 = arith.constant 0 : index
    %get3A_582 = vector.load %arg2[%get3A_580, %get3A_581] : memref<4x64xf32, #tpu.memory_space<vmem>>, vector<4x64xf32>
    %dot_general3A_583 = arith.constant dense<0.000000e+00> : vector<2048x64xf32>
    %dot_general3A_584 = tpu.matmul %get3A_579, %get3A_582, %dot_general3A_583 {dimension_numbers = #tpu.dot_dimension_numbers<[0], [0], [1], [1], [0, 1, 1, 1], [], []>, transpose_lhs_hint = false} : vector<4x2048xf32>, vector<4x64xf32>, vector<2048x64xf32> -> vector<2048x64xf32>
    %get3A_585 = arith.constant 0 : index
    %get3A_586 = arith.constant 0 : index
    %get3A_587 = vector.load %arg3[%get3A_585, %get3A_586] : memref<1x64xf32, #tpu.memory_space<vmem>>, vector<1x64xf32>
    %add3A_588 = vector.broadcast %get3A_587 : vector<1x64xf32> to vector<2048x64xf32>
    %add3A_589 = arith.addf %dot_general3A_584, %add3A_588 : vector<2048x64xf32>
    %max3A_590 = arith.constant 0.000000e+00 : f32
    %max3A_591 = vector.broadcast %max3A_590 : f32 to vector<2048x64xf32>
    %max3A_592 = arith.maximumf %add3A_589, %max3A_591 : vector<2048x64xf32>
    %get3A_593 = arith.constant 0 : index
    %get3A_594 = arith.constant 0 : index
    %get3A_595 = vector.load %arg4[%get3A_593, %get3A_594] : memref<64x128xf32, #tpu.memory_space<vmem>>, vector<64x128xf32>
    %dot_general3A_596 = arith.constant dense<0.000000e+00> : vector<2048x128xf32>
    %dot_general3A_597 = tpu.matmul %max3A_592, %get3A_595, %dot_general3A_596 {dimension_numbers = #tpu.dot_dimension_numbers<[1], [0], [0], [1], [0, 0, 1, 1], [], []>, transpose_lhs_hint = false} : vector<2048x64xf32>, vector<64x128xf32>, vector<2048x128xf32> -> vector<2048x128xf32>
    %get3A_598 = arith.constant 0 : index
    %get3A_599 = arith.constant 0 : index
    %get3A_600 = vector.load %arg5[%get3A_598, %get3A_599] : memref<1x128xf32, #tpu.memory_space<vmem>>, vector<1x128xf32>
    %add3A_601 = vector.broadcast %get3A_600 : vector<1x128xf32> to vector<2048x128xf32>
    %add3A_602 = arith.addf %dot_general3A_597, %add3A_601 : vector<2048x128xf32>
    %max3A_603 = arith.constant 0.000000e+00 : f32
    %max3A_604 = vector.broadcast %max3A_603 : f32 to vector<2048x128xf32>
    %max3A_605 = arith.maximumf %add3A_602, %max3A_604 : vector<2048x128xf32>
    %get3A_606 = arith.constant 0 : index
    %get3A_607 = arith.constant 0 : index
    %get3A_608 = vector.load %arg6[%get3A_606, %get3A_607] : memref<128x1024xf32, #tpu.memory_space<vmem>>, vector<128x1024xf32>
    %dot_general3A_609 = arith.constant dense<0.000000e+00> : vector<2048x1024xf32>
    %dot_general3A_610 = tpu.matmul %max3A_605, %get3A_608, %dot_general3A_609 {dimension_numbers = #tpu.dot_dimension_numbers<[1], [0], [0], [1], [0, 0, 1, 1], [], []>, transpose_lhs_hint = false} : vector<2048x128xf32>, vector<128x1024xf32>, vector<2048x1024xf32> -> vector<2048x1024xf32>
    %get3A_611 = arith.constant 0 : index
    %get3A_612 = arith.constant 0 : index
    %get3A_613 = vector.load %arg7[%get3A_611, %get3A_612] : memref<1x1024xf32, #tpu.memory_space<vmem>>, vector<1x1024xf32>
    %add3A_614 = vector.broadcast %get3A_613 : vector<1x1024xf32> to vector<2048x1024xf32>
    %add3A_615 = arith.addf %dot_general3A_610, %add3A_614 : vector<2048x1024xf32>
    %reduce_max3A_616 = arith.constant dense<0xFF800000> : vector<1024xf32>
    %reduce_max3A_617 = vector.multi_reduction <maximumf>, %add3A_615, %reduce_max3A_616 [0] : vector<2048x1024xf32> to vector<1024xf32>
    %broadcast_in_dim3A_618 = vector.shape_cast %reduce_max3A_617 : vector<1024xf32> to vector<1x1024xf32>
    %get3A_619 = arith.constant 0 : index
    %get3A_620 = arith.constant 0 : index
    %get3A_621 = vector.load %arg8[%get3A_619, %get3A_620] : memref<4x64xf32, #tpu.memory_space<vmem>>, vector<4x64xf32>
    %dot_general3A_622 = arith.constant dense<0.000000e+00> : vector<2048x64xf32>
    %dot_general3A_623 = tpu.matmul %get3A_579, %get3A_621, %dot_general3A_622 {dimension_numbers = #tpu.dot_dimension_numbers<[0], [0], [1], [1], [0, 1, 1, 1], [], []>, transpose_lhs_hint = false} : vector<4x2048xf32>, vector<4x64xf32>, vector<2048x64xf32> -> vector<2048x64xf32>
    %get3A_624 = arith.constant 0 : index
    %get3A_625 = arith.constant 0 : index
    %get3A_626 = vector.load %arg9[%get3A_624, %get3A_625] : memref<1x64xf32, #tpu.memory_space<vmem>>, vector<1x64xf32>
    %add3A_627 = vector.broadcast %get3A_626 : vector<1x64xf32> to vector<2048x64xf32>
    %add3A_628 = arith.addf %dot_general3A_623, %add3A_627 : vector<2048x64xf32>
    %max3A_629 = arith.constant 0.000000e+00 : f32
    %max3A_630 = vector.broadcast %max3A_629 : f32 to vector<2048x64xf32>
    %max3A_631 = arith.maximumf %add3A_628, %max3A_630 : vector<2048x64xf32>
    %get3A_632 = arith.constant 0 : index
    %get3A_633 = arith.constant 0 : index
    %get3A_634 = vector.load %arg10[%get3A_632, %get3A_633] : memref<64x128xf32, #tpu.memory_space<vmem>>, vector<64x128xf32>
    %dot_general3A_635 = arith.constant dense<0.000000e+00> : vector<2048x128xf32>
    %dot_general3A_636 = tpu.matmul %max3A_631, %get3A_634, %dot_general3A_635 {dimension_numbers = #tpu.dot_dimension_numbers<[1], [0], [0], [1], [0, 0, 1, 1], [], []>, transpose_lhs_hint = false} : vector<2048x64xf32>, vector<64x128xf32>, vector<2048x128xf32> -> vector<2048x128xf32>
    %get3A_637 = arith.constant 0 : index
    %get3A_638 = arith.constant 0 : index
    %get3A_639 = vector.load %arg11[%get3A_637, %get3A_638] : memref<1x128xf32, #tpu.memory_space<vmem>>, vector<1x128xf32>
    %add3A_640 = vector.broadcast %get3A_639 : vector<1x128xf32> to vector<2048x128xf32>
    %add3A_641 = arith.addf %dot_general3A_636, %add3A_640 : vector<2048x128xf32>
    %max3A_642 = arith.constant 0.000000e+00 : f32
    %max3A_643 = vector.broadcast %max3A_642 : f32 to vector<2048x128xf32>
    %max3A_644 = arith.maximumf %add3A_641, %max3A_643 : vector<2048x128xf32>
    %get3A_645 = arith.constant 0 : index
    %get3A_646 = arith.constant 0 : index
    %get3A_647 = vector.load %arg12[%get3A_645, %get3A_646] : memref<128x1024xf32, #tpu.memory_space<vmem>>, vector<128x1024xf32>
    %dot_general3A_648 = arith.constant dense<0.000000e+00> : vector<2048x1024xf32>
    %dot_general3A_649 = tpu.matmul %max3A_644, %get3A_647, %dot_general3A_648 {dimension_numbers = #tpu.dot_dimension_numbers<[1], [0], [0], [1], [0, 0, 1, 1], [], []>, transpose_lhs_hint = false} : vector<2048x128xf32>, vector<128x1024xf32>, vector<2048x1024xf32> -> vector<2048x1024xf32>
    %get3A_650 = arith.constant 0 : index
    %get3A_651 = arith.constant 0 : index
    %get3A_652 = vector.load %arg13[%get3A_650, %get3A_651] : memref<1x1024xf32, #tpu.memory_space<vmem>>, vector<1x1024xf32>
    %add3A_653 = vector.broadcast %get3A_652 : vector<1x1024xf32> to vector<2048x1024xf32>
    %add3A_654 = arith.addf %dot_general3A_649, %add3A_653 : vector<2048x1024xf32>
    %reduce_max3A_655 = arith.constant dense<0xFF800000> : vector<1024xf32>
    %reduce_max3A_656 = vector.multi_reduction <maximumf>, %add3A_654, %reduce_max3A_655 [0] : vector<2048x1024xf32> to vector<1024xf32>
    %broadcast_in_dim3A_657 = vector.shape_cast %reduce_max3A_656 : vector<1024xf32> to vector<1x1024xf32>
    %stack3A = vector.shape_cast %broadcast_in_dim3A : vector<1x1024xf32> to vector<1x1x1024xf32>
    %stack3A_658 = vector.shape_cast %broadcast_in_dim3A_120 : vector<1x1024xf32> to vector<1x1x1024xf32>
    %stack3A_659 = vector.shape_cast %broadcast_in_dim3A_203 : vector<1x1024xf32> to vector<1x1x1024xf32>
    %stack3A_660 = vector.shape_cast %broadcast_in_dim3A_286 : vector<1x1024xf32> to vector<1x1x1024xf32>
    %stack3A_661 = vector.shape_cast %broadcast_in_dim3A_369 : vector<1x1024xf32> to vector<1x1x1024xf32>
    %stack3A_662 = vector.shape_cast %broadcast_in_dim3A_452 : vector<1x1024xf32> to vector<1x1x1024xf32>
    %stack3A_663 = vector.shape_cast %broadcast_in_dim3A_535 : vector<1x1024xf32> to vector<1x1x1024xf32>
    %stack3A_664 = vector.shape_cast %broadcast_in_dim3A_618 : vector<1x1024xf32> to vector<1x1x1024xf32>
    %stack3A_665 = tpu.concatenate %stack3A, %stack3A_658, %stack3A_659, %stack3A_660, %stack3A_661, %stack3A_662, %stack3A_663, %stack3A_664 in 0 : vector<1x1x1024xf32>, vector<1x1x1024xf32>, vector<1x1x1024xf32>, vector<1x1x1024xf32>, vector<1x1x1024xf32>, vector<1x1x1024xf32>, vector<1x1x1024xf32>, vector<1x1x1024xf32> -> vector<8x1x1024xf32>
    %swap3A = arith.constant 0 : index
    %swap3A_666 = arith.constant 0 : index
    %swap3A_667 = arith.constant 0 : index
    %swap3A_668 = vector.load %arg14[%swap3A, %swap3A_666, %swap3A_667] : memref<8x1x1024xf32, #tpu.memory_space<vmem>>, vector<8x1x1024xf32>
    tpu.vector_store %arg14[%swap3A, %swap3A_666, %swap3A_667], %stack3A_665 {strides = array<i32>} : memref<8x1x1024xf32, #tpu.memory_space<vmem>>, vector<8x1x1024xf32>,
    %stack3A_669 = vector.shape_cast %broadcast_in_dim3A_76 : vector<1x1024xf32> to vector<1x1x1024xf32>
    %stack3A_670 = vector.shape_cast %broadcast_in_dim3A_159 : vector<1x1024xf32> to vector<1x1x1024xf32>
    %stack3A_671 = vector.shape_cast %broadcast_in_dim3A_242 : vector<1x1024xf32> to vector<1x1x1024xf32>
    %stack3A_672 = vector.shape_cast %broadcast_in_dim3A_325 : vector<1x1024xf32> to vector<1x1x1024xf32>
    %stack3A_673 = vector.shape_cast %broadcast_in_dim3A_408 : vector<1x1024xf32> to vector<1x1x1024xf32>
    %stack3A_674 = vector.shape_cast %broadcast_in_dim3A_491 : vector<1x1024xf32> to vector<1x1x1024xf32>
    %stack3A_675 = vector.shape_cast %broadcast_in_dim3A_574 : vector<1x1024xf32> to vector<1x1x1024xf32>
    %stack3A_676 = vector.shape_cast %broadcast_in_dim3A_657 : vector<1x1024xf32> to vector<1x1x1024xf32>
    %stack3A_677 = tpu.concatenate %stack3A_669, %stack3A_670, %stack3A_671, %stack3A_672, %stack3A_673, %stack3A_674, %stack3A_675, %stack3A_676 in 0 : vector<1x1x1024xf32>, vector<1x1x1024xf32>, vector<1x1x1024xf32>, vector<1x1x1024xf32>, vector<1x1x1024xf32>, vector<1x1x1024xf32>, vector<1x1x1024xf32>, vector<1x1x1024xf32> -> vector<8x1x1024xf32>
    %swap3A_678 = arith.constant 0 : index
    %swap3A_679 = arith.constant 0 : index
    %swap3A_680 = arith.constant 0 : index
    %swap3A_681 = vector.load %arg15[%swap3A_678, %swap3A_679, %swap3A_680] : memref<8x1x1024xf32, #tpu.memory_space<vmem>>, vector<8x1x1024xf32>
    tpu.vector_store %arg15[%swap3A_678, %swap3A_679, %swap3A_680], %stack3A_677 {strides = array<i32>} : memref<8x1x1024xf32, #tpu.memory_space<vmem>>, vector<8x1x1024xf32>,
    return
  }
  func.func @transform_0(%arg0: i32) -> (i32, i32, i32) {
    %c0_i32 = arith.constant 0 : i32
    %c0_i32_0 = arith.constant 0 : i32
    %c0_i32_1 = arith.constant 0 : i32
    return %arg0, %c0_i32, %c0_i32_0 : i32, i32, i32
  }
  func.func @transform_1(%arg0: i32) -> (i32, i32) {
    %c0_i32 = arith.constant 0 : i32
    %c0_i32_0 = arith.constant 0 : i32
    %c0_i32_1 = arith.constant 0 : i32
    return %c0_i32, %c0_i32_0 : i32, i32
  }
  func.func @transform_2(%arg0: i32) -> (i32, i32) {
    %c0_i32 = arith.constant 0 : i32
    %c0_i32_0 = arith.constant 0 : i32
    %c0_i32_1 = arith.constant 0 : i32
    return %c0_i32, %c0_i32_0 : i32, i32
  }
  func.func @transform_3(%arg0: i32) -> (i32, i32) {
    %c0_i32 = arith.constant 0 : i32
    %c0_i32_0 = arith.constant 0 : i32
    %c0_i32_1 = arith.constant 0 : i32
    return %c0_i32, %c0_i32_0 : i32, i32
  }
  func.func @transform_4(%arg0: i32) -> (i32, i32) {
    %c0_i32 = arith.constant 0 : i32
    %c0_i32_0 = arith.constant 0 : i32
    %c0_i32_1 = arith.constant 0 : i32
    return %c0_i32, %c0_i32_0 : i32, i32
  }
  func.func @transform_5(%arg0: i32) -> (i32, i32) {
    %c0_i32 = arith.constant 0 : i32
    %c0_i32_0 = arith.constant 0 : i32
    %c0_i32_1 = arith.constant 0 : i32
    return %c0_i32, %c0_i32_0 : i32, i32
  }
  func.func @transform_6(%arg0: i32) -> (i32, i32) {
    %c0_i32 = arith.constant 0 : i32
    %c0_i32_0 = arith.constant 0 : i32
    %c0_i32_1 = arith.constant 0 : i32
    return %c0_i32, %c0_i32_0 : i32, i32
  }
  func.func @transform_7(%arg0: i32) -> (i32, i32) {
    %c0_i32 = arith.constant 0 : i32
    %c0_i32_0 = arith.constant 0 : i32
    %c0_i32_1 = arith.constant 0 : i32
    return %c0_i32, %c0_i32_0 : i32, i32
  }
  func.func @transform_8(%arg0: i32) -> (i32, i32) {
    %c0_i32 = arith.constant 0 : i32
    %c0_i32_0 = arith.constant 0 : i32
    %c0_i32_1 = arith.constant 0 : i32
    return %c0_i32, %c0_i32_0 : i32, i32
  }
  func.func @transform_9(%arg0: i32) -> (i32, i32) {
    %c0_i32 = arith.constant 0 : i32
    %c0_i32_0 = arith.constant 0 : i32
    %c0_i32_1 = arith.constant 0 : i32
    return %c0_i32, %c0_i32_0 : i32, i32
  }
  func.func @transform_10(%arg0: i32) -> (i32, i32) {
    %c0_i32 = arith.constant 0 : i32
    %c0_i32_0 = arith.constant 0 : i32
    %c0_i32_1 = arith.constant 0 : i32
    return %c0_i32, %c0_i32_0 : i32, i32
  }
  func.func @transform_11(%arg0: i32) -> (i32, i32) {
    %c0_i32 = arith.constant 0 : i32
    %c0_i32_0 = arith.constant 0 : i32
    %c0_i32_1 = arith.constant 0 : i32
    return %c0_i32, %c0_i32_0 : i32, i32
  }
  func.func @transform_12(%arg0: i32) -> (i32, i32) {
    %c0_i32 = arith.constant 0 : i32
    %c0_i32_0 = arith.constant 0 : i32
    %c0_i32_1 = arith.constant 0 : i32
    return %c0_i32, %c0_i32_0 : i32, i32
  }
  func.func @transform_13(%arg0: i32) -> (i32, i32, i32) {
    %c0_i32 = arith.constant 0 : i32
    %c0_i32_0 = arith.constant 0 : i32
    %c0_i32_1 = arith.constant 0 : i32
    return %arg0, %c0_i32, %c0_i32_0 : i32, i32, i32
  }
  func.func @transform_14(%arg0: i32) -> (i32, i32, i32) {
    %c0_i32 = arith.constant 0 : i32
    %c0_i32_0 = arith.constant 0 : i32
    %c0_i32_1 = arith.constant 0 : i32
    return %arg0, %c0_i32, %c0_i32_0 : i32, i32, i32
  }
}

module attributes {stable_mosaic.version = 14 : i64} {
  func.func @_final_kernel(%arg0: memref<256x256xf32, #tpu.memory_space<vmem>>, %arg1: memref<6x32x256xf32, #tpu.memory_space<vmem>>, %arg2: memref<128x1024xf32, #tpu.memory_space<vmem>>, %arg3: memref<32x1024xf32, #tpu.memory_space<vmem>>, %arg4: memref<32x1024xf32, #tpu.memory_space<vmem>>, %arg5: memref<2560x1024xf32, #tpu.memory_space<vmem>>, %arg6: memref<1x1024xf32, #tpu.memory_space<vmem>>, %arg7: memref<1024x256xf32, #tpu.memory_space<vmem>>, %arg8: memref<1x256xf32, #tpu.memory_space<vmem>>, %arg9: memref<256x61xf32, #tpu.memory_space<vmem>>, %arg10: memref<1x61xf32, #tpu.memory_space<vmem>>, %arg11: memref<2048x1024xf32, #tpu.memory_space<vmem>>, %arg12: memref<1x1024xf32, #tpu.memory_space<vmem>>, %arg13: memref<1024x128xf32, #tpu.memory_space<vmem>>, %arg14: memref<1x128xf32, #tpu.memory_space<vmem>>, %arg15: memref<128x61xf32, #tpu.memory_space<vmem>>, %arg16: memref<1x61xf32, #tpu.memory_space<vmem>>, %arg17: memref<32x61xf32, #tpu.memory_space<vmem>>, %arg18: memref<1x1xf32, #tpu.memory_space<vmem>>) attributes {dimension_semantics = [], scalar_prefetch = 0 : i64, scratch_operands = 0 : i64, tpu.core_type = #tpu.core_type<tc>} {
    %get3A = arith.constant 0 : index
    %get3A_0 = arith.constant 0 : index
    %get3A_1 = vector.load %arg4[%get3A, %get3A_0] : memref<32x1024xf32, #tpu.memory_space<vmem>>, vector<32x1024xf32>
    %get3A_2 = arith.constant 0 : index
    %get3A_3 = arith.constant 0 : index
    %get3A_4 = vector.load %arg2[%get3A_2, %get3A_3] : memref<128x1024xf32, #tpu.memory_space<vmem>>, vector<128x1024xf32>
    %mul3A = arith.mulf %get3A_1, %get3A_1 : vector<32x1024xf32>
    %reduce_sum3A = arith.constant dense<0.000000e+00> : vector<32xf32>
    %reduce_sum3A_5 = vector.multi_reduction <add>, %mul3A, %reduce_sum3A [1] : vector<32x1024xf32> to vector<32xf32>
    %broadcast_in_dim3A = vector.shape_cast %reduce_sum3A_5 : vector<32xf32> to vector<32x1xf32>
    %dot_general3A = arith.constant dense<0.000000e+00> : vector<32x128xf32>
    %dot_general3A_6 = tpu.matmul %get3A_1, %get3A_4, %dot_general3A {dimension_numbers = #tpu.dot_dimension_numbers<[1], [1], [0], [0], [0, 0, 1, 0], [], []>, transpose_lhs_hint = false} : vector<32x1024xf32>, vector<128x1024xf32>, vector<32x128xf32> -> vector<32x128xf32>
    %mul3A_7 = arith.constant 2.000000e+00 : f32
    %mul3A_8 = vector.broadcast %mul3A_7 : f32 to vector<32x128xf32>
    %mul3A_9 = arith.mulf %mul3A_8, %dot_general3A_6 : vector<32x128xf32>
    %sub3A = vector.broadcast %broadcast_in_dim3A : vector<32x1xf32> to vector<32x128xf32>
    %sub3A_10 = arith.subf %sub3A, %mul3A_9 : vector<32x128xf32>
    %mul3A_11 = arith.mulf %get3A_4, %get3A_4 : vector<128x1024xf32>
    %reduce_sum3A_12 = arith.constant dense<0.000000e+00> : vector<128xf32>
    %reduce_sum3A_13 = vector.multi_reduction <add>, %mul3A_11, %reduce_sum3A_12 [1] : vector<128x1024xf32> to vector<128xf32>
    %broadcast_in_dim3A_14 = vector.shape_cast %reduce_sum3A_13 : vector<128xf32> to vector<1x128xf32>
    %add3A = vector.broadcast %broadcast_in_dim3A_14 : vector<1x128xf32> to vector<32x128xf32>
    %add3A_15 = arith.addf %sub3A_10, %add3A : vector<32x128xf32>
    %iota3A = tpu.iota {dimensions = array<i32: 1>} : vector<32x128xi32>
    %reduce_min3A = arith.constant dense<0x7F800000> : vector<32xf32>
    %reduce_min3A_16 = vector.multi_reduction <minimumf>, %add3A_15, %reduce_min3A [1] : vector<32x128xf32> to vector<32xf32>
    %broadcast_in_dim3A_17 = vector.shape_cast %reduce_min3A_16 : vector<32xf32> to vector<32x1xf32>
    %eq3A = vector.broadcast %broadcast_in_dim3A_17 : vector<32x1xf32> to vector<32x128xf32>
    %eq3A_18 = arith.cmpf oeq, %add3A_15, %eq3A : vector<32x128xf32>
    %jit3A = arith.constant 128 : i32
    %broadcast_in_dim3A_19 = vector.broadcast %jit3A : i32 to vector<32x128xi32>
    %select_n3A = arith.select %eq3A_18, %iota3A, %broadcast_in_dim3A_19 : vector<32x128xi1>, vector<32x128xi32>
    %reduce_min3A_20 = arith.constant dense<2147483647> : vector<32xi32>
    %reduce_min3A_21 = vector.multi_reduction <minsi>, %select_n3A, %reduce_min3A_20 [1] : vector<32x128xi32> to vector<32xi32>
    %broadcast_in_dim3A_22 = vector.shape_cast %reduce_min3A_21 : vector<32xi32> to vector<32x1xi32>
    %eq3A_23 = vector.broadcast %broadcast_in_dim3A_22 : vector<32x1xi32> to vector<32x128xi32>
    %eq3A_24 = arith.cmpi eq, %iota3A, %eq3A_23 : vector<32x128xi32>
    %convert_element_type3A = arith.extui %eq3A_24 : vector<32x128xi1> to vector<32x128xi32>
    %convert_element_type3A_25 = arith.sitofp %convert_element_type3A : vector<32x128xi32> to vector<32x128xf32>
    %dot_general3A_26 = arith.constant dense<0.000000e+00> : vector<32x1024xf32>
    %dot_general3A_27 = tpu.matmul %convert_element_type3A_25, %get3A_4, %dot_general3A_26 {dimension_numbers = #tpu.dot_dimension_numbers<[1], [0], [0], [1], [0, 0, 1, 1], [], []>, transpose_lhs_hint = false} : vector<32x128xf32>, vector<128x1024xf32>, vector<32x1024xf32> -> vector<32x1024xf32>
    %get3A_28 = arith.constant 0 : index
    %get3A_29 = arith.constant 0 : index
    %get3A_30 = vector.load %arg0[%get3A_28, %get3A_29] : memref<256x256xf32, #tpu.memory_space<vmem>>, vector<256x256xf32>
    %reshape3A = vector.shape_cast %get3A_30 : vector<256x256xf32> to vector<32x8x256xf32>
    %slice3A = vector.extract_strided_slice %reshape3A {offsets = [0, 0, 0], sizes = [32, 6, 256], strides = [1, 1, 1]} : vector<32x8x256xf32> to vector<32x6x256xf32>
    %reshape3A_31 = vector.shape_cast %slice3A : vector<32x6x256xf32> to vector<192x256xf32>
    %get3A_32 = arith.constant 0 : index
    %get3A_33 = arith.constant 0 : index
    %get3A_34 = arith.constant 0 : index
    %get3A_35 = vector.load %arg1[%get3A_32, %get3A_33, %get3A_34] : memref<6x32x256xf32, #tpu.memory_space<vmem>>, vector<6x32x256xf32>
    %slice3A_36 = vector.extract_strided_slice %reshape3A_31 {offsets = [0, 0], sizes = [32, 256], strides = [1, 1]} : vector<192x256xf32> to vector<32x256xf32>
    %slice3A_37 = vector.extract_strided_slice %get3A_35 {offsets = [0, 0, 0], sizes = [1, 32, 256], strides = [1, 1, 1]} : vector<6x32x256xf32> to vector<1x32x256xf32>
    %squeeze3A = vector.shape_cast %slice3A_37 : vector<1x32x256xf32> to vector<32x256xf32>
    %sub3A_38 = arith.subf %slice3A_36, %squeeze3A : vector<32x256xf32>
    %integer_pow3A = arith.mulf %sub3A_38, %sub3A_38 : vector<32x256xf32>
    %reduce_sum3A_39 = vector.shape_cast %integer_pow3A : vector<32x256xf32> to vector<1x32x256xf32>
    %reduce_sum3A_40 = arith.constant dense<0.000000e+00> : vector<1xf32>
    %reduce_sum3A_41 = vector.multi_reduction <add>, %reduce_sum3A_39, %reduce_sum3A_40 [1, 2] : vector<1x32x256xf32> to vector<1xf32>
    %reduce_sum3A_42 = vector.shape_cast %reduce_sum3A_41 : vector<1xf32> to vector<1x1x1xf32>
    %reduce_sum3A_43 = vector.extract %reduce_sum3A_42[0, 0, 0] : f32 from vector<1x1x1xf32>
    %add3A_44 = arith.constant 0.000000e+00 : f32
    %add3A_45 = arith.addf %add3A_44, %reduce_sum3A_43 : f32
    %slice3A_46 = vector.extract_strided_slice %reshape3A_31 {offsets = [32, 0], sizes = [32, 256], strides = [1, 1]} : vector<192x256xf32> to vector<32x256xf32>
    %slice3A_47 = vector.extract_strided_slice %get3A_35 {offsets = [1, 0, 0], sizes = [1, 32, 256], strides = [1, 1, 1]} : vector<6x32x256xf32> to vector<1x32x256xf32>
    %squeeze3A_48 = vector.shape_cast %slice3A_47 : vector<1x32x256xf32> to vector<32x256xf32>
    %sub3A_49 = arith.subf %slice3A_46, %squeeze3A_48 : vector<32x256xf32>
    %integer_pow3A_50 = arith.mulf %sub3A_49, %sub3A_49 : vector<32x256xf32>
    %reduce_sum3A_51 = vector.shape_cast %integer_pow3A_50 : vector<32x256xf32> to vector<1x32x256xf32>
    %reduce_sum3A_52 = arith.constant dense<0.000000e+00> : vector<1xf32>
    %reduce_sum3A_53 = vector.multi_reduction <add>, %reduce_sum3A_51, %reduce_sum3A_52 [1, 2] : vector<1x32x256xf32> to vector<1xf32>
    %reduce_sum3A_54 = vector.shape_cast %reduce_sum3A_53 : vector<1xf32> to vector<1x1x1xf32>
    %reduce_sum3A_55 = vector.extract %reduce_sum3A_54[0, 0, 0] : f32 from vector<1x1x1xf32>
    %add3A_56 = arith.addf %add3A_45, %reduce_sum3A_55 : f32
    %slice3A_57 = vector.extract_strided_slice %reshape3A_31 {offsets = [64, 0], sizes = [32, 256], strides = [1, 1]} : vector<192x256xf32> to vector<32x256xf32>
    %slice3A_58 = vector.extract_strided_slice %get3A_35 {offsets = [2, 0, 0], sizes = [1, 32, 256], strides = [1, 1, 1]} : vector<6x32x256xf32> to vector<1x32x256xf32>
    %squeeze3A_59 = vector.shape_cast %slice3A_58 : vector<1x32x256xf32> to vector<32x256xf32>
    %sub3A_60 = arith.subf %slice3A_57, %squeeze3A_59 : vector<32x256xf32>
    %integer_pow3A_61 = arith.mulf %sub3A_60, %sub3A_60 : vector<32x256xf32>
    %reduce_sum3A_62 = vector.shape_cast %integer_pow3A_61 : vector<32x256xf32> to vector<1x32x256xf32>
    %reduce_sum3A_63 = arith.constant dense<0.000000e+00> : vector<1xf32>
    %reduce_sum3A_64 = vector.multi_reduction <add>, %reduce_sum3A_62, %reduce_sum3A_63 [1, 2] : vector<1x32x256xf32> to vector<1xf32>
    %reduce_sum3A_65 = vector.shape_cast %reduce_sum3A_64 : vector<1xf32> to vector<1x1x1xf32>
    %reduce_sum3A_66 = vector.extract %reduce_sum3A_65[0, 0, 0] : f32 from vector<1x1x1xf32>
    %add3A_67 = arith.addf %add3A_56, %reduce_sum3A_66 : f32
    %slice3A_68 = vector.extract_strided_slice %reshape3A_31 {offsets = [96, 0], sizes = [32, 256], strides = [1, 1]} : vector<192x256xf32> to vector<32x256xf32>
    %slice3A_69 = vector.extract_strided_slice %get3A_35 {offsets = [3, 0, 0], sizes = [1, 32, 256], strides = [1, 1, 1]} : vector<6x32x256xf32> to vector<1x32x256xf32>
    %squeeze3A_70 = vector.shape_cast %slice3A_69 : vector<1x32x256xf32> to vector<32x256xf32>
    %sub3A_71 = arith.subf %slice3A_68, %squeeze3A_70 : vector<32x256xf32>
    %integer_pow3A_72 = arith.mulf %sub3A_71, %sub3A_71 : vector<32x256xf32>
    %reduce_sum3A_73 = vector.shape_cast %integer_pow3A_72 : vector<32x256xf32> to vector<1x32x256xf32>
    %reduce_sum3A_74 = arith.constant dense<0.000000e+00> : vector<1xf32>
    %reduce_sum3A_75 = vector.multi_reduction <add>, %reduce_sum3A_73, %reduce_sum3A_74 [1, 2] : vector<1x32x256xf32> to vector<1xf32>
    %reduce_sum3A_76 = vector.shape_cast %reduce_sum3A_75 : vector<1xf32> to vector<1x1x1xf32>
    %reduce_sum3A_77 = vector.extract %reduce_sum3A_76[0, 0, 0] : f32 from vector<1x1x1xf32>
    %add3A_78 = arith.addf %add3A_67, %reduce_sum3A_77 : f32
    %slice3A_79 = vector.extract_strided_slice %reshape3A_31 {offsets = [128, 0], sizes = [32, 256], strides = [1, 1]} : vector<192x256xf32> to vector<32x256xf32>
    %slice3A_80 = vector.extract_strided_slice %get3A_35 {offsets = [4, 0, 0], sizes = [1, 32, 256], strides = [1, 1, 1]} : vector<6x32x256xf32> to vector<1x32x256xf32>
    %squeeze3A_81 = vector.shape_cast %slice3A_80 : vector<1x32x256xf32> to vector<32x256xf32>
    %sub3A_82 = arith.subf %slice3A_79, %squeeze3A_81 : vector<32x256xf32>
    %integer_pow3A_83 = arith.mulf %sub3A_82, %sub3A_82 : vector<32x256xf32>
    %reduce_sum3A_84 = vector.shape_cast %integer_pow3A_83 : vector<32x256xf32> to vector<1x32x256xf32>
    %reduce_sum3A_85 = arith.constant dense<0.000000e+00> : vector<1xf32>
    %reduce_sum3A_86 = vector.multi_reduction <add>, %reduce_sum3A_84, %reduce_sum3A_85 [1, 2] : vector<1x32x256xf32> to vector<1xf32>
    %reduce_sum3A_87 = vector.shape_cast %reduce_sum3A_86 : vector<1xf32> to vector<1x1x1xf32>
    %reduce_sum3A_88 = vector.extract %reduce_sum3A_87[0, 0, 0] : f32 from vector<1x1x1xf32>
    %add3A_89 = arith.addf %add3A_78, %reduce_sum3A_88 : f32
    %slice3A_90 = vector.extract_strided_slice %reshape3A_31 {offsets = [160, 0], sizes = [32, 256], strides = [1, 1]} : vector<192x256xf32> to vector<32x256xf32>
    %slice3A_91 = vector.extract_strided_slice %get3A_35 {offsets = [5, 0, 0], sizes = [1, 32, 256], strides = [1, 1, 1]} : vector<6x32x256xf32> to vector<1x32x256xf32>
    %squeeze3A_92 = vector.shape_cast %slice3A_91 : vector<1x32x256xf32> to vector<32x256xf32>
    %sub3A_93 = arith.subf %slice3A_90, %squeeze3A_92 : vector<32x256xf32>
    %integer_pow3A_94 = arith.mulf %sub3A_93, %sub3A_93 : vector<32x256xf32>
    %reduce_sum3A_95 = vector.shape_cast %integer_pow3A_94 : vector<32x256xf32> to vector<1x32x256xf32>
    %reduce_sum3A_96 = arith.constant dense<0.000000e+00> : vector<1xf32>
    %reduce_sum3A_97 = vector.multi_reduction <add>, %reduce_sum3A_95, %reduce_sum3A_96 [1, 2] : vector<1x32x256xf32> to vector<1xf32>
    %reduce_sum3A_98 = vector.shape_cast %reduce_sum3A_97 : vector<1xf32> to vector<1x1x1xf32>
    %reduce_sum3A_99 = vector.extract %reduce_sum3A_98[0, 0, 0] : f32 from vector<1x1x1xf32>
    %add3A_100 = arith.addf %add3A_89, %reduce_sum3A_99 : f32
    %sub3A_101 = arith.subf %dot_general3A_27, %get3A_1 : vector<32x1024xf32>
    %integer_pow3A_102 = arith.mulf %sub3A_101, %sub3A_101 : vector<32x1024xf32>
    %reduce_sum3A_103 = vector.shape_cast %integer_pow3A_102 : vector<32x1024xf32> to vector<1x32x1024xf32>
    %reduce_sum3A_104 = arith.constant dense<0.000000e+00> : vector<1xf32>
    %reduce_sum3A_105 = vector.multi_reduction <add>, %reduce_sum3A_103, %reduce_sum3A_104 [1, 2] : vector<1x32x1024xf32> to vector<1xf32>
    %reduce_sum3A_106 = vector.shape_cast %reduce_sum3A_105 : vector<1xf32> to vector<1x1x1xf32>
    %reduce_sum3A_107 = vector.extract %reduce_sum3A_106[0, 0, 0] : f32 from vector<1x1x1xf32>
    %mul3A_108 = arith.constant 1.250000e+00 : f32
    %mul3A_109 = arith.mulf %mul3A_108, %add3A_100 : f32
    %div3A = arith.constant 8.192000e+03 : f32
    %div3A_110 = arith.divf %mul3A_109, %div3A : f32
    %mul3A_111 = arith.constant 3.000000e+00 : f32
    %mul3A_112 = arith.mulf %mul3A_111, %reduce_sum3A_107 : f32
    %div3A_113 = arith.constant 3.276800e+04 : f32
    %div3A_114 = arith.divf %mul3A_112, %div3A_113 : f32
    %add3A_115 = arith.addf %div3A_110, %div3A_114 : f32
    %get3A_116 = arith.constant 0 : index
    %get3A_117 = arith.constant 0 : index
    %get3A_118 = vector.load %arg3[%get3A_116, %get3A_117] : memref<32x1024xf32, #tpu.memory_space<vmem>>, vector<32x1024xf32>
    %get3A_119 = arith.constant 1536 : index
    %get3A_120 = arith.constant 0 : index
    %get3A_121 = vector.load %arg5[%get3A_119, %get3A_120] : memref<2560x1024xf32, #tpu.memory_space<vmem>>, vector<1024x1024xf32>
    %dot_general3A_122 = arith.constant dense<0.000000e+00> : vector<32x1024xf32>
    %dot_general3A_123 = tpu.matmul %get3A_118, %get3A_121, %dot_general3A_122 {dimension_numbers = #tpu.dot_dimension_numbers<[1], [0], [0], [1], [0, 0, 1, 1], [], []>, transpose_lhs_hint = false} : vector<32x1024xf32>, vector<1024x1024xf32>, vector<32x1024xf32> -> vector<32x1024xf32>
    %get3A_124 = arith.constant 0 : index
    %get3A_125 = arith.constant 0 : index
    %get3A_126 = vector.load %arg6[%get3A_124, %get3A_125] : memref<1x1024xf32, #tpu.memory_space<vmem>>, vector<1x1024xf32>
    %add3A_127 = vector.broadcast %get3A_126 : vector<1x1024xf32> to vector<32x1024xf32>
    %add3A_128 = arith.addf %dot_general3A_123, %add3A_127 : vector<32x1024xf32>
    %get3A_129 = arith.constant 0 : index
    %get3A_130 = arith.constant 0 : index
    %get3A_131 = vector.load %arg5[%get3A_129, %get3A_130] : memref<2560x1024xf32, #tpu.memory_space<vmem>>, vector<256x1024xf32>
    %dot_general3A_132 = arith.constant dense<0.000000e+00> : vector<32x1024xf32>
    %dot_general3A_133 = tpu.matmul %slice3A_36, %get3A_131, %dot_general3A_132 {dimension_numbers = #tpu.dot_dimension_numbers<[1], [0], [0], [1], [0, 0, 1, 1], [], []>, transpose_lhs_hint = false} : vector<32x256xf32>, vector<256x1024xf32>, vector<32x1024xf32> -> vector<32x1024xf32>
    %add3A_134 = arith.addf %add3A_128, %dot_general3A_133 : vector<32x1024xf32>
    %get3A_135 = arith.constant 256 : index
    %get3A_136 = arith.constant 0 : index
    %get3A_137 = vector.load %arg5[%get3A_135, %get3A_136] : memref<2560x1024xf32, #tpu.memory_space<vmem>>, vector<256x1024xf32>
    %dot_general3A_138 = arith.constant dense<0.000000e+00> : vector<32x1024xf32>
    %dot_general3A_139 = tpu.matmul %slice3A_46, %get3A_137, %dot_general3A_138 {dimension_numbers = #tpu.dot_dimension_numbers<[1], [0], [0], [1], [0, 0, 1, 1], [], []>, transpose_lhs_hint = false} : vector<32x256xf32>, vector<256x1024xf32>, vector<32x1024xf32> -> vector<32x1024xf32>
    %add3A_140 = arith.addf %add3A_134, %dot_general3A_139 : vector<32x1024xf32>
    %get3A_141 = arith.constant 512 : index
    %get3A_142 = arith.constant 0 : index
    %get3A_143 = vector.load %arg5[%get3A_141, %get3A_142] : memref<2560x1024xf32, #tpu.memory_space<vmem>>, vector<256x1024xf32>
    %dot_general3A_144 = arith.constant dense<0.000000e+00> : vector<32x1024xf32>
    %dot_general3A_145 = tpu.matmul %slice3A_57, %get3A_143, %dot_general3A_144 {dimension_numbers = #tpu.dot_dimension_numbers<[1], [0], [0], [1], [0, 0, 1, 1], [], []>, transpose_lhs_hint = false} : vector<32x256xf32>, vector<256x1024xf32>, vector<32x1024xf32> -> vector<32x1024xf32>
    %add3A_146 = arith.addf %add3A_140, %dot_general3A_145 : vector<32x1024xf32>
    %get3A_147 = arith.constant 768 : index
    %get3A_148 = arith.constant 0 : index
    %get3A_149 = vector.load %arg5[%get3A_147, %get3A_148] : memref<2560x1024xf32, #tpu.memory_space<vmem>>, vector<256x1024xf32>
    %dot_general3A_150 = arith.constant dense<0.000000e+00> : vector<32x1024xf32>
    %dot_general3A_151 = tpu.matmul %slice3A_68, %get3A_149, %dot_general3A_150 {dimension_numbers = #tpu.dot_dimension_numbers<[1], [0], [0], [1], [0, 0, 1, 1], [], []>, transpose_lhs_hint = false} : vector<32x256xf32>, vector<256x1024xf32>, vector<32x1024xf32> -> vector<32x1024xf32>
    %add3A_152 = arith.addf %add3A_146, %dot_general3A_151 : vector<32x1024xf32>
    %get3A_153 = arith.constant 1024 : index
    %get3A_154 = arith.constant 0 : index
    %get3A_155 = vector.load %arg5[%get3A_153, %get3A_154] : memref<2560x1024xf32, #tpu.memory_space<vmem>>, vector<256x1024xf32>
    %dot_general3A_156 = arith.constant dense<0.000000e+00> : vector<32x1024xf32>
    %dot_general3A_157 = tpu.matmul %slice3A_79, %get3A_155, %dot_general3A_156 {dimension_numbers = #tpu.dot_dimension_numbers<[1], [0], [0], [1], [0, 0, 1, 1], [], []>, transpose_lhs_hint = false} : vector<32x256xf32>, vector<256x1024xf32>, vector<32x1024xf32> -> vector<32x1024xf32>
    %add3A_158 = arith.addf %add3A_152, %dot_general3A_157 : vector<32x1024xf32>
    %get3A_159 = arith.constant 1280 : index
    %get3A_160 = arith.constant 0 : index
    %get3A_161 = vector.load %arg5[%get3A_159, %get3A_160] : memref<2560x1024xf32, #tpu.memory_space<vmem>>, vector<256x1024xf32>
    %dot_general3A_162 = arith.constant dense<0.000000e+00> : vector<32x1024xf32>
    %dot_general3A_163 = tpu.matmul %slice3A_90, %get3A_161, %dot_general3A_162 {dimension_numbers = #tpu.dot_dimension_numbers<[1], [0], [0], [1], [0, 0, 1, 1], [], []>, transpose_lhs_hint = false} : vector<32x256xf32>, vector<256x1024xf32>, vector<32x1024xf32> -> vector<32x1024xf32>
    %add3A_164 = arith.addf %add3A_158, %dot_general3A_163 : vector<32x1024xf32>
    %max3A = arith.constant 0.000000e+00 : f32
    %max3A_165 = vector.broadcast %max3A : f32 to vector<32x1024xf32>
    %max3A_166 = arith.maximumf %add3A_164, %max3A_165 : vector<32x1024xf32>
    %get3A_167 = arith.constant 0 : index
    %get3A_168 = arith.constant 0 : index
    %get3A_169 = vector.load %arg7[%get3A_167, %get3A_168] : memref<1024x256xf32, #tpu.memory_space<vmem>>, vector<1024x256xf32>
    %dot_general3A_170 = arith.constant dense<0.000000e+00> : vector<32x256xf32>
    %dot_general3A_171 = tpu.matmul %max3A_166, %get3A_169, %dot_general3A_170 {dimension_numbers = #tpu.dot_dimension_numbers<[1], [0], [0], [1], [0, 0, 1, 1], [], []>, transpose_lhs_hint = false} : vector<32x1024xf32>, vector<1024x256xf32>, vector<32x256xf32> -> vector<32x256xf32>
    %get3A_172 = arith.constant 0 : index
    %get3A_173 = arith.constant 0 : index
    %get3A_174 = vector.load %arg8[%get3A_172, %get3A_173] : memref<1x256xf32, #tpu.memory_space<vmem>>, vector<1x256xf32>
    %add3A_175 = vector.broadcast %get3A_174 : vector<1x256xf32> to vector<32x256xf32>
    %add3A_176 = arith.addf %dot_general3A_171, %add3A_175 : vector<32x256xf32>
    %max3A_177 = arith.constant 0.000000e+00 : f32
    %max3A_178 = vector.broadcast %max3A_177 : f32 to vector<32x256xf32>
    %max3A_179 = arith.maximumf %add3A_176, %max3A_178 : vector<32x256xf32>
    %get3A_180 = arith.constant 0 : index
    %get3A_181 = arith.constant 0 : index
    %get3A_182 = vector.load %arg9[%get3A_180, %get3A_181] : memref<256x61xf32, #tpu.memory_space<vmem>>, vector<256x61xf32>
    %dot_general3A_183 = arith.constant dense<0.000000e+00> : vector<32x61xf32>
    %dot_general3A_184 = tpu.matmul %max3A_179, %get3A_182, %dot_general3A_183 {dimension_numbers = #tpu.dot_dimension_numbers<[1], [0], [0], [1], [0, 0, 1, 1], [], []>, transpose_lhs_hint = false} : vector<32x256xf32>, vector<256x61xf32>, vector<32x61xf32> -> vector<32x61xf32>
    %get3A_185 = arith.constant 0 : index
    %get3A_186 = arith.constant 0 : index
    %get3A_187 = vector.load %arg10[%get3A_185, %get3A_186] : memref<1x61xf32, #tpu.memory_space<vmem>>, vector<1x61xf32>
    %add3A_188 = vector.broadcast %get3A_187 : vector<1x61xf32> to vector<32x61xf32>
    %add3A_189 = arith.addf %dot_general3A_184, %add3A_188 : vector<32x61xf32>
    %get3A_190 = arith.constant 0 : index
    %get3A_191 = arith.constant 0 : index
    %get3A_192 = vector.load %arg11[%get3A_190, %get3A_191] : memref<2048x1024xf32, #tpu.memory_space<vmem>>, vector<1024x1024xf32>
    %dot_general3A_193 = arith.constant dense<0.000000e+00> : vector<32x1024xf32>
    %dot_general3A_194 = tpu.matmul %dot_general3A_27, %get3A_192, %dot_general3A_193 {dimension_numbers = #tpu.dot_dimension_numbers<[1], [0], [0], [1], [0, 0, 1, 1], [], []>, transpose_lhs_hint = false} : vector<32x1024xf32>, vector<1024x1024xf32>, vector<32x1024xf32> -> vector<32x1024xf32>
    %get3A_195 = arith.constant 1024 : index
    %get3A_196 = arith.constant 0 : index
    %get3A_197 = vector.load %arg11[%get3A_195, %get3A_196] : memref<2048x1024xf32, #tpu.memory_space<vmem>>, vector<1024x1024xf32>
    %dot_general3A_198 = arith.constant dense<0.000000e+00> : vector<32x1024xf32>
    %dot_general3A_199 = tpu.matmul %get3A_118, %get3A_197, %dot_general3A_198 {dimension_numbers = #tpu.dot_dimension_numbers<[1], [0], [0], [1], [0, 0, 1, 1], [], []>, transpose_lhs_hint = false} : vector<32x1024xf32>, vector<1024x1024xf32>, vector<32x1024xf32> -> vector<32x1024xf32>
    %add3A_200 = arith.addf %dot_general3A_194, %dot_general3A_199 : vector<32x1024xf32>
    %get3A_201 = arith.constant 0 : index
    %get3A_202 = arith.constant 0 : index
    %get3A_203 = vector.load %arg12[%get3A_201, %get3A_202] : memref<1x1024xf32, #tpu.memory_space<vmem>>, vector<1x1024xf32>
    %add3A_204 = vector.broadcast %get3A_203 : vector<1x1024xf32> to vector<32x1024xf32>
    %add3A_205 = arith.addf %add3A_200, %add3A_204 : vector<32x1024xf32>
    %max3A_206 = arith.constant 0.000000e+00 : f32
    %max3A_207 = vector.broadcast %max3A_206 : f32 to vector<32x1024xf32>
    %max3A_208 = arith.maximumf %add3A_205, %max3A_207 : vector<32x1024xf32>
    %get3A_209 = arith.constant 0 : index
    %get3A_210 = arith.constant 0 : index
    %get3A_211 = vector.load %arg13[%get3A_209, %get3A_210] : memref<1024x128xf32, #tpu.memory_space<vmem>>, vector<1024x128xf32>
    %dot_general3A_212 = arith.constant dense<0.000000e+00> : vector<32x128xf32>
    %dot_general3A_213 = tpu.matmul %max3A_208, %get3A_211, %dot_general3A_212 {dimension_numbers = #tpu.dot_dimension_numbers<[1], [0], [0], [1], [0, 0, 1, 1], [], []>, transpose_lhs_hint = false} : vector<32x1024xf32>, vector<1024x128xf32>, vector<32x128xf32> -> vector<32x128xf32>
    %get3A_214 = arith.constant 0 : index
    %get3A_215 = arith.constant 0 : index
    %get3A_216 = vector.load %arg14[%get3A_214, %get3A_215] : memref<1x128xf32, #tpu.memory_space<vmem>>, vector<1x128xf32>
    %add3A_217 = vector.broadcast %get3A_216 : vector<1x128xf32> to vector<32x128xf32>
    %add3A_218 = arith.addf %dot_general3A_213, %add3A_217 : vector<32x128xf32>
    %max3A_219 = arith.constant 0.000000e+00 : f32
    %max3A_220 = vector.broadcast %max3A_219 : f32 to vector<32x128xf32>
    %max3A_221 = arith.maximumf %add3A_218, %max3A_220 : vector<32x128xf32>
    %get3A_222 = arith.constant 0 : index
    %get3A_223 = arith.constant 0 : index
    %get3A_224 = vector.load %arg15[%get3A_222, %get3A_223] : memref<128x61xf32, #tpu.memory_space<vmem>>, vector<128x61xf32>
    %dot_general3A_225 = arith.constant dense<0.000000e+00> : vector<32x61xf32>
    %dot_general3A_226 = tpu.matmul %max3A_221, %get3A_224, %dot_general3A_225 {dimension_numbers = #tpu.dot_dimension_numbers<[1], [0], [0], [1], [0, 0, 1, 1], [], []>, transpose_lhs_hint = false} : vector<32x128xf32>, vector<128x61xf32>, vector<32x61xf32> -> vector<32x61xf32>
    %get3A_227 = arith.constant 0 : index
    %get3A_228 = arith.constant 0 : index
    %get3A_229 = vector.load %arg16[%get3A_227, %get3A_228] : memref<1x61xf32, #tpu.memory_space<vmem>>, vector<1x61xf32>
    %add3A_230 = vector.broadcast %get3A_229 : vector<1x61xf32> to vector<32x61xf32>
    %add3A_231 = arith.addf %dot_general3A_226, %add3A_230 : vector<32x61xf32>
    %add3A_232 = arith.addf %add3A_189, %add3A_231 : vector<32x61xf32>
    %swap3A = arith.constant 0 : index
    %swap3A_233 = arith.constant 0 : index
    %swap3A_234 = vector.load %arg17[%swap3A, %swap3A_233] : memref<32x61xf32, #tpu.memory_space<vmem>>, vector<32x61xf32>
    tpu.vector_store %arg17[%swap3A, %swap3A_233], %add3A_232 {strides = array<i32>} : memref<32x61xf32, #tpu.memory_space<vmem>>, vector<32x61xf32>,
    %reshape3A_235 = vector.broadcast %add3A_115 : f32 to vector<1x1xf32>
    %swap3A_236 = arith.constant 0 : index
    %swap3A_237 = arith.constant 0 : index
    %swap3A_238 = vector.load %arg18[%swap3A_236, %swap3A_237] : memref<1x1xf32, #tpu.memory_space<vmem>>, vector<1x1xf32>
    tpu.vector_store %arg18[%swap3A_236, %swap3A_237], %reshape3A_235 {strides = array<i32>} : memref<1x1xf32, #tpu.memory_space<vmem>>, vector<1x1xf32>,
    return
  }
}

</mosaic_0001>

<sc_bundles>
// kernel: kernel.7.cloned.1.call-start
scs
__scs_entry_jumppad:
0x0: {  	(pc) =	sbr.rel $0x88, $3  }
0x1: {  	(tag) =	ssettag $0x0;
	lr =	simm.s32 $0x1  }
0x2: {  	[smem:$0x3F44] =	sst lr;
	_ =	strace $0xD0000000  }
0x3: {  	_ = 	snop  }
0x4: {  	_ = 	snop  }
0x5: {  	_ = 	snop  }
0x6: {  	_ = 	snop  }
0x7: {  	_ = 	snop  }
__scs_overlays_trampoline_lowered:
0x8: {  	[smem:$0x3F53] =	sst s0  }
0x9: {  	[smem:$0x3F54] =	sst s1  }
0xa: {  	[smem:$0x3F55] =	sst s2  }
0xb: {  	[smem:$0x3F56] =	sst s3  }
0xc: {  	[smem:$0x3F57] =	sst s4  }
0xd: {  	[smem:$0x3F58] =	sst s5  }
0xe: {  	[smem:$0x3F59] =	sst s6  }
0xf: {  	[smem:$0x3F5A] =	sst s7  }
0x10: {  	[smem:$0x3F5B] =	sst s8  }
0x11: {  	[smem:$0x3F5C] =	sst s9;
	s0 =	simm.s32 @!p0 $0x0  }
0x12: {  	s1 =	sld [smem:$0x3F42];
	s0 =	simm.s32 @p0 $0x1  }
0x13: {  	[smem:$0x3F5D] =	sst s0;
	s0 =	simm.s32 @!p1 $0x0  }
0x14: {  	s2 =	sld [smem:$0x3F41];
	s0 =	simm.s32 @p1 $0x1  }
0x15: {  	[smem:$0x3F5E] =	sst s0;
	s0 =	simm.s32 @!p2 $0x0  }
0x16: {  	s3 =	sld [smem:$0x3FDB];
	s0 =	simm.s32 @p2 $0x1  }
0x17: {  	s4 =	simm.s32 $0x1BF5;
	[smem:$0x3F60] =	sst s0  }
0x18: {  	s0 =	sld [smem:$0x3F43];
	_ =	swait.ge [sflag:s4], $0x0  }
0x19: {  	s7 =	sld [smem:$0x3F44]  }
0x1a: {  	s8 =	sadd.s32 $0xFFFFE003, lr  }
0x1b: {  	s9 =	sadd.s32 $0xFFFFFEF7, lr;
	s5 =	simm.s32 $0xFFFFFFFF;
	p2 =	slt.u32 s8, $0xFFFFF086  }
0x1c: {  	p1 =	slt.u32 s9, $0xF7A;
	s5 =	simm.s32 @!p2 $0x0  }
0x1d: {  	s5 =	simm.s32 @p1 $0x1;
	p0 =	seq.s32 s7, s2  }
0x1e: {  	s7 =	smul.u32 @!p0 $0xF7A, s2;
	p2 =	seq.s32 @!p0 s5, $0x0  }
0x1f: {  	s9 =	smul.u32 $0xF7A, s1;
	s8 =	simm.s32 @!p0 $0x1BF5;
	p2 =	por !p2, p0  }
0x20: {  	[sflag:s8] =	ssyncset.s32 @!p0 $0xFFFFF086;
	s6 =	sadd.s32 @!p0 s3, s7;
	s7 =	simm.s32 @!p0 $0x108  }
0x21: {  	s3 =	sadd.s32 s3, s9;
	s6 =	sadd.s32 @!p0 $0x88, s6;
	s7 =	simm.s32 @p2 $0x1082  }
0x22: {  	[simem:s7], [sflag:s8] =	dma.local @!p0 [hbm:s6], $0xF7A  }
0x23: {  	s9 =	sor.u32 $0xD0000000, s2;
	s6 =	simm.s32 $0x108;
	_ =	swait.ge @!p0 [sflag:s8], $0x0  }
0x24: {  	s3 =	sadd.s32 $0x88, s3;
	s6 =	simm.s32 @!p1 $0x1082;
	[sflag:s4] =	ssyncset.s32 $0xFFFFF086  }
0x25: {  	[simem:s6], [sflag:s4] =	dma.local [hbm:s3], $0xF7A  }
0x26: {  	[smem:$0x3F44] =	sst s1;
	(tag) =	ssettag s2;
	_ =	strace s9  }
0x27: {  	s1 =	sld [smem:$0x3F54]  }
0x28: {  	s2 =	sld [smem:$0x3F55]  }
0x29: {  	s4 =	sld [smem:$0x3F57]  }
0x2a: {  	p0 =	seq.s32 s5, $0x0;
	s5 =	sld [smem:$0x3F58]  }
0x2b: {  	s6 =	sld [smem:$0x3F59]  }
0x2c: {  	s7 =	sld [smem:$0x3F5A]  }
0x2d: {  	s3 =	simm.s32 $0x108;
	s8 =	sld [smem:$0x3F5B]  }
0x2e: {  	s3 =	simm.s32 @!p0 $0x1082;
	s9 =	sld [smem:$0x3F5C]  }
0x2f: {  	lr =	sadd.s32 s0, s3;
	s0 =	sld [smem:$0x3F53]  }
0x30: {  	s3 =	sld [smem:$0x3F56]  }
0x31: {  	[smem:$0x3F5F] =	sst s10  }
0x32: {  	s10 =	sld [smem:$0x3F5D];
	_ =	sdelay $0x3  }
0x33: {  	p0 =	seq.s32 s10, $0x1;
	s10 =	sld [smem:$0x3F5F];
	_ =	sdelay $0x3  }
0x34: {  	[smem:$0x3F5F] =	sst s10  }
0x35: {  	s10 =	sld [smem:$0x3F5E];
	_ =	sdelay $0x3  }
0x36: {  	p1 =	seq.s32 s10, $0x1;
	s10 =	sld [smem:$0x3F5F];
	_ =	sdelay $0x3  }
0x37: {  	[smem:$0x3F5F] =	sst s10  }
0x38: {  	s10 =	sld [smem:$0x3F60]  }
0x39: {  	_ = 	snop;
	(pc) =	sbr.ind lr, $3  }
0x3a: {  	_ = 	snop  }
0x3b: {  	_ = 	snop  }
0x3c: {  	p2 =	seq.s32 s10, $0x1;
	s10 =	sld [smem:$0x3F5F]  }
0x3d: {  	_ =	shalt  }
0x3e: {  	_ =	shalt  }
0x3f: {  	_ =	shalt  }
0x40: {  	_ =	shalt  }
0x41: {  	_ =	shalt  }
0x42: {  	_ =	shalt  }
0x43: {  	_ =	shalt  }
0x44: {  	_ =	shalt  }
0x45: {  	_ =	shalt  }
0x46: {  	_ =	shalt  }
0x47: {  	_ =	shalt  }
0x48: {  	_ =	shalt  }
0x49: {  	_ =	shalt  }
0x4a: {  	_ =	shalt  }
0x4b: {  	_ =	shalt  }
0x4c: {  	_ =	shalt  }
0x4d: {  	_ =	shalt  }
0x4e: {  	_ =	shalt  }
0x4f: {  	_ =	shalt  }
0x50: {  	_ =	shalt  }
0x51: {  	_ =	shalt  }
0x52: {  	_ =	shalt  }
0x53: {  	_ =	shalt  }
0x54: {  	_ =	shalt  }
0x55: {  	_ =	shalt  }
0x56: {  	_ =	shalt  }
0x57: {  	_ =	shalt  }
0x58: {  	_ =	shalt  }
0x59: {  	_ =	shalt  }
0x5a: {  	_ =	shalt  }
0x5b: {  	_ =	shalt  }
0x5c: {  	_ =	shalt  }
0x5d: {  	_ =	shalt  }
0x5e: {  	_ =	shalt  }
0x5f: {  	_ =	shalt  }
0x60: {  	_ =	shalt  }
0x61: {  	_ =	shalt  }
0x62: {  	_ =	shalt  }
0x63: {  	_ =	shalt  }
0x64: {  	_ =	shalt  }
0x65: {  	_ =	shalt  }
0x66: {  	_ =	shalt  }
0x67: {  	_ =	shalt  }
0x68: {  	_ =	shalt  }
0x69: {  	_ =	shalt  }
0x6a: {  	_ =	shalt  }
0x6b: {  	_ =	shalt  }
0x6c: {  	_ =	shalt  }
0x6d: {  	_ =	shalt  }
0x6e: {  	_ =	shalt  }
0x6f: {  	_ =	shalt  }
0x70: {  	_ =	shalt  }
0x71: {  	_ =	shalt  }
0x72: {  	_ =	shalt  }
0x73: {  	_ =	shalt  }
0x74: {  	_ =	shalt  }
0x75: {  	_ =	shalt  }
0x76: {  	_ =	shalt  }
0x77: {  	_ =	shalt  }
0x78: {  	_ =	shalt  }
0x79: {  	_ =	shalt  }
0x7a: {  	_ =	shalt  }
0x7b: {  	_ =	shalt  }
0x7c: {  	_ =	shalt  }
0x7d: {  	_ =	shalt  }
0x7e: {  	_ =	shalt  }
0x7f: {  	_ =	shalt  }
0x80: {  	_ =	shalt  }
0x81: {  	_ =	shalt  }
0x82: {  	_ =	shalt  }
0x83: {  	_ =	shalt  }
0x84: {  	_ =	shalt  }
0x85: {  	_ =	shalt  }
0x86: {  	_ =	shalt  }
0x87: {  	_ =	shalt  }
.Lfunc_end0:
.L_simem_size_0:
called_computation_lowered:
.L_overlay_start_0:
0x88: {  	s2 =	sld [smem:$0x3FD9]  }
0x89: {  	s3 =	sld [smem:$0x3FFE];
	_ =	sdelay $0x1  }
0x8a: {  	s1 =	srdreg.scid  }
0x8b: {  	s0 =	sand.u32 $0x1, s1  }
0x8c: {  	s14 =	sshll.u32 s0, $0xA;
	s2 =	sadd.s32 s3, s2  }
0x8d: {  	s2 =	sadd.s32 s2, s14  }
0x8e: {  	[smem:$0x3F6B] =	sst s2  }
0x8f: {  	_ = 	snop  }
0x90: {  	s2 =	sld [smem:$0x3FD0];
	_ =	sdelay $0x2  }
0x91: {  	s15 =	simm.s32 $0xA;
	s4 =	simm.s32 $0x10  }
0x92: {  	[smem:s4], [sflag:s15] =	dma.local [hbm:s2], $0x1  }
0x93: {  	_ =	swait.eq [sflag:s15], $0x1  }
0x94: {  	[sflag:s15] =	ssyncset.done $0x0  }
0x95: {  	[sflag:s15] =	ssyncadd.s32 $0xFFFFFFFF  }
0x96: {  	s16 =	sld [smem:$0x10];
	(tm) =	ssettm $0x1  }
0x97: {  	s17 =	sld [smem:$0x3FFB];
	_ =	sdelay $0x3  }
0x98: {  	_ =	strace s17  }
0x99: {  	s3 =	sld [smem:$0x3FFC];
	_ =	sdelay $0x3  }
0x9a: {  	_ =	strace s3  }
0x9b: {  	s3 =	sld [smem:$0x3FFD];
	_ =	sdelay $0x3  }
0x9c: {  	_ =	strace s3  }
0x9d: {  	_ =	strace $0x8FFFFFFF  }
0x9e: {  	s18 =	sld [smem:$0x3FDB];
	_ =	sdelay $0x1  }
0x9f: {  	s19 =	simm.s32 $_scs_section_size  }
0xa0: {  	s5 =	simm.s32 $_size__tile_overlayer_lowered;
	s6 =	simm.s32 $_tile_overlayer_lowered  }
0xa1: {  	s22 =	simm.s32 $0x1BFF;
	s21 =	sshll.u32 s6, $0x1;
	s3 =	sadd.s32 s19, s18  }
0xa2: {  	s7 =	simm.s32 $0x0;
	s20 =	sshll.u32 s5, $0x1;
	s5 =	sadd.s32 s21, s3  }
0xa3: {  	[timem:s7], [sflag:s22] =	dma.local [hbm:s5], s20  }
0xa4: {  	_ =	swait.ge [sflag:s22], s20  }
0xa5: {  	s4 =	ssub.s32 $0x0, s20;
	[sflag:s22] =	ssyncset.done $0x0  }
0xa6: {  	[sflag:s22] =	ssyncadd.s32 s4;
	_ =	sdelay $0x1  }
0xa7: {  	s23 =	simm.s32 $0x1B8B  }
0xa8: {  	_ =	swait.ge [sflag:s23], $0x1  }
0xa9: {  	[sflag:s23] =	ssyncset.done $0x0  }
0xaa: {  	s25 =	simm.s32 $0x1B8E;
	s24 =	sld [smem:$0x3FFE];
	[sflag:s23] =	ssyncadd.s32 $0xFFFFFFFF  }
0xab: {  	s26 =	simm.s32 $execute0_lowered;
	[smem:$0x3FD2] =	sst s25  }
0xac: {  	s5 =	sshll.u32 s26, $0x1;
	_ =	strace $0x80000046;
	[dreg:$0x1] =	wrdreg $0xFFFFFFFF  }
0xad: {  	s28 =	simm.s32 $_size_execute0_lowered;
	s3 =	sadd.s32 s3, s5;
	[dreg:$0x0] =	wrdreg $0x0  }
0xae: {  	s5 =	sshll.u32 s28, $0x1;
	[dreg:$0x2] =	wrdreg s3  }
0xaf: {  	[dreg:$0x3] =	wrdreg s5  }
0xb0: {  	[dreg:$0x4] =	wrdreg $0xC0  }
0xb1: {  	_ =	task [dreg:s7], $0x5FFFF  }
0xb2: {  	[dreg:$0x1] =	wrdreg $0xFFFFFFFF  }
0xb3: {  	[dreg:$0x0] =	wrdreg $0x60  }
0xb4: {  	[dreg:$0x2] =	wrdreg s16  }
0xb5: {  	[dreg:$0x3] =	wrdreg s24  }
0xb6: {  	[dreg:$0x4] =	wrdreg $0x9  }
0xb7: {  	_ =	task.clear_ibuf [dreg:s7], $0x5FFFF;
	_ =	strace $0x90000046  }
0xb8: {  	s29 =	simm.s32 $0x9;
	_ =	strace $0x80000048  }
0xb9: {  	_ =	swait.ge [sflag:s29], $0x1  }
0xba: {  	[sflag:s29] =	ssyncadd.s32 $0xFFFFFFFF  }
0xbb: {  	_ =	strace $0x90000048  }
0xbc: {  	_ =	sfence  }
0xbd: {  	s30 =	sld [smem:$0x0];
	_ =	sdelay $0x2  }
0xbe: {  	s31 =	sshll.u32 s1, $0xD;
	s1 =	sshrl.u32 s1, $0x2  }
0xbf: {  	s3 =	sand.u32 $0x4000, s31;
	s1 =	sadd.s32 s1, s30  }
0xc0: {  	s0 =	sor.u32 s3, s0;
	s1 =	sshll.u32 s1, $0x11  }
0xc1: {  	s0 =	sor.u32 s1, s0  }
0xc2: {  	s0 =	sadd.s32 $0x8F2B, s0  }
0xc3: {  	[sflag:s0] =	ssyncadd.remote.s32 $0x1  }
0xc4: {  	_ =	sfence.sel $0xFFFF  }
0xc5: {  	[dreg:$0x0] =	wrdreg $0xFFFFFFFF;
	(pc) =	sbr.abs _section_cstart, $3  }
0xc6: {  	[dreg:$0x1] =	wrdreg $0xFFFFFFFF  }
0xc7: {  	_ =	task.clear_ibuf [dreg:s7], $0x2FFFF;
	_ =	strace $0x9FFFFFFF  }
0xc8: {  	(tm) =	ssettm $0x7FFFFFFF  }
0xc9: {  	_ =	shalt  }
tec
execute0_lowered:
.L_overlay_start_1:
0x0: {  	(tag) =	ssettag $0x1  }
0x1: {  	s1 =	srdreg.scid  }
0x2: {  	s3 =	rddreg [dreg:$0x0];
	s0 =	stileid.u32;
	s6 =	sand.u32 $0x1, s1  }
0x3: {  	s8 =	rddreg [dreg:$0x1];
	s4 =	sshll.u32 s0, $0x4;
	s5 =	sshll.u32 s6, $0x3  }
0x4: {  	s2 =	simm.s32 $0x0;
	s1 =	rddreg [dreg:$0x2];
	s9 =	sor.u32 s5, s4  }
0x5: {  	[smem:$0x7FF] =	sst s2;
	s4 =	sshrl.u32 s9, $0x3  }
0x6: {  	_ =	strace $0x80000047;
	s4 =	sadd.s32 s3, s4;
	s3 =	simm.s32 $0x2  }
0x7: {  	[tilespmem:s2], [sflag:$0x2] =	stream.linear.gather [hbm4b:s4+s2], $0x8, $0x38;
	[tilespmem:$0x880] =	vst v63  }
0x8: {  	_ =	swait.ge [sflag:s3], $0x8  }
0x9: {  	[sflag:s3] =	ssyncset.done $0x0  }
0xa: {  	[sflag:s3] =	ssyncadd.s32 $0xFFFFFFF8  }
0xb: {  	v0 =	vld.msk [tilespmem:$0x0], $0xff;
	_ =	sdelay $0x4  }
0xc: {  	v1 =	vshll.u32 v0, $0x1  }
0xd: {  	v2 =	vlaneseq.u32;
	v3 =	vand.u32 $0x7, v0;
	v1 =	vand.u32 $0xFFFFFFF0, v1  }
0xe: {  	v0 =	vand.u32 $0x7, v2;
	v2 =	vshrl.u32 v2, $0x3;
	v3 =	vor.u32 v3, v1  }
0xf: {  	v1 =	vmul.u32 $0x8, v2;
	v2 =	vperm.xlane v3, v0;
	_ =	sdelay $0x1  }
0x10: {  	v2 =	vadd.s32 v1, v2  }
0x11: {  	s10 =	ssub.s32 $0x2, s6  }
0x12: {  	s7 =	simm.s32 $0x1;
	s11 =	sshrl.u32 s10, $0x1  }
0x13: {  	s6 =	simm.s32 $0x80;
	s9 =	sshll.u32 s9, $0x5;
	s31 =	ssub.s32 s10, s11  }
0x14: {  	vm0 =	vmmov $0xffff;
	s5 =	sadd.s32 $0xBC00, s8;
	s8 =	sadd.s32 s9, s8;
	s9 =	smax.u32 s31, $0x1  }
0x15: {  	[tilespmem:s6], [sflag:$0x1] =	stream.indirect_vreg.gather [hbm4b:s5+s2], $0x80, v2, vm0, $0xb8;
	[tilespmem:$0x880] =	vst v63  }
0x16: {  	p0 =	sne.s32 s9, $0x1;
	_ =	swait.ge [sflag:s7], $0x800  }
.Ltmp0:
0x17: {  	[sflag:s7] =	ssyncset.done $0x0;
	(pc) =	sbr.rel @!p0 .LBB2_2-.Ltmp0, $4  }
0x18: {  	s8 =	sadd.s32 $0x11C00, s8;
	[sflag:s7] =	ssyncadd.s32 $0xFFFFF800  }
0x19: {  	[hbm4b:s8+s2] =	stream.linear.scatter [tilespmem:s6], [sflag:$0x2], $0x800, $0x38;
	[tilespmem:$0x880] =	vst v63  }
0x1a: {  	_ =	swait.ge [sflag:s3], $0x800  }
0x1b: {  	s9 =	sadd.s32 $0xFFFFFFFF, s9;
	[sflag:s3] =	ssyncset.done $0x0  }
.LBB2_1:
0x1c: {  	p0 =	sne.s32 s9, $0x1;
	s9 =	sadd.s32 $0xFFFFFFFF, s9;
	[sflag:s3] =	ssyncadd.s32 $0xFFFFF800  }
0x1d: {  	[tilespmem:s2], [sflag:$0x2] =	stream.linear.gather [hbm4b:s4+s2], $0x8, $0x38;
	[tilespmem:$0x880] =	vst v63  }
0x1e: {  	_ =	swait.ge [sflag:s3], $0x8  }
0x1f: {  	[sflag:s3] =	ssyncset.done $0x0  }
0x20: {  	[sflag:s3] =	ssyncadd.s32 $0xFFFFFFF8  }
0x21: {  	v2 =	vld.msk [tilespmem:$0x0], $0xff;
	_ =	sdelay $0x4  }
0x22: {  	v3 =	vshll.u32 v2, $0x1  }
0x23: {  	v2 =	vand.u32 $0x7, v2;
	v3 =	vand.u32 $0xFFFFFFF0, v3  }
0x24: {  	v2 =	vor.u32 v2, v3  }
0x25: {  	v2 =	vperm.xlane v2, v0;
	_ =	sdelay $0x1  }
0x26: {  	v2 =	vadd.s32 v1, v2;
	_ =	sdelay $0x4  }
0x27: {  	[tilespmem:s6], [sflag:$0x1] =	stream.indirect_vreg.gather [hbm4b:s5+s2], $0x80, v2, vm0, $0xb8;
	[tilespmem:$0x880] =	vst v63  }
0x28: {  	_ =	swait.ge [sflag:s7], $0x800  }
.Ltmp1:
0x29: {  	[sflag:s7] =	ssyncset.done $0x0;
	(pc) =	sbr.rel @p0 .LBB2_1-.Ltmp1, $4  }
0x2a: {  	[sflag:s7] =	ssyncadd.s32 $0xFFFFF800  }
0x2b: {  	[hbm4b:s8+s2] =	stream.linear.scatter [tilespmem:s6], [sflag:$0x2], $0x800, $0x38;
	[tilespmem:$0x880] =	vst v63  }
0x2c: {  	_ =	swait.ge [sflag:s3], $0x800  }
0x2d: {  	[sflag:s3] =	ssyncset.done $0x0  }
.LBB2_2:
0x2e: {  	[sflag:s3] =	ssyncadd.s32 $0xFFFFF800  }
0x2f: {  	_ =	sfence.sel $0x180000  }
0x30: {  	[bflag:$0x0] =	sbarrier.arrive $0xFFFF  }
0x31: {  	p0 =	sne.s32 s0, $0x0;
	_ =	strace $0x90000047  }
0x32: {  	s0 =	sadd.s32 @!p0 $0x100000, s1;
	[bflag:$0x2] =	sbarrier.arrive $0xFFFF  }
0x33: {  	[sflag:s0] =	ssyncadd.tile.s32 @!p0 $0x1;
	_ =	shalt  }
.Lfunc_end2:
_tile_overlayer_lowered:
.L_overlay_start_2:
0x34: {  	(tag) =	ssettag $0x2  }
0x35: {  	s0 =	rddreg [dreg:$0x0];
	s2 =	stileid.u32  }
0x36: {  	s1 =	rddreg [dreg:$0x1];
	p0 =	sne.s32 s2, $0x0  }
0x37: {  	s3 =	rddreg [dreg:$0x2];
	[bflag:$0x3] =	sbarrier.arrive $0xFFFF;
	s2 =	simm.s32 @!p0 $0x1C02  }
0x38: {  	[timem:s3], [sflag:s2] =	dma.local @!p0 [hbm:s0], s1  }
0x39: {  	s0 =	simm.s32 @!p0 $0x2  }
0x3a: {  	_ =	swait.ge @!p0 [sflag:s0], s1  }
0x3b: {  	s1 =	ssub.s32 @!p0 $0x0, s1;
	[sflag:s0] =	ssyncset.done @!p0 $0x0  }
0x3c: {  	[sflag:s0] =	ssyncadd.s32 @!p0 s1  }
0x3d: {  	[bflag:$0x3] =	sbarrier.arrive $0xFFFF  }
0x3e: {  	_ =	shalt  }

</sc_bundles>
